<compile_context>
chip_gen: v7x
topology: tpu7x:2x2x1
jax: 0.10.2.dev20260603
libtpu: 0.0.44.dev20260713+nightly
codegen_flags: <defaults>
</compile_context>

<pallas_src>
import functools

import jax
import jax.numpy as jnp
from jax import lax
from jax.experimental import pallas as pl
from jax.experimental.pallas import tpu as pltpu
from jax.experimental.pallas import tpu_sc as plsc

_LANES = 16


@functools.cache
def _make_sc_kernel(B, D, NB, bpw, chunk, nbuf):
    n_chunks = bpw // chunk
    mesh = plsc.VectorSubcoreMesh(core_axis_name="c", subcore_axis_name="s")

    @functools.partial(
        pl.kernel,
        out_type=jax.ShapeDtypeStruct((B, D), jnp.float32),
        mesh=mesh,
        compiler_params=pltpu.CompilerParams(needs_layout_passes=False),
        scratch_types=[
            pltpu.VMEM((NB,), jnp.float32),
            pltpu.VMEM((bpw,), jnp.float32),
            pltpu.VMEM((bpw,), jnp.int32),
            pltpu.VMEM((nbuf, chunk, D), jnp.float32),
        ] + [pltpu.SemaphoreType.DMA] * (2 * nbuf),
    )
    def k(clip_hbm, bnd_hbm, table_hbm, out_hbm,
          bnd_v, clip_v, idx_v, rows_v, *sems):
        nc = 2
        wid = lax.axis_index("s") * nc + lax.axis_index("c")
        base = wid * bpw
        gsem = sems[:nbuf]
        wsem = sems[nbuf:]

        pltpu.sync_copy(bnd_hbm, bnd_v)
        pltpu.sync_copy(clip_hbm.at[pl.ds(base, bpw)], clip_v)

        def bucketize(i, carry):
            x = clip_v[pl.ds(i * _LANES, _LANES)]
            lo = jnp.zeros((_LANES,), jnp.int32)
            for bit in (128, 64, 32, 16, 8, 4, 2, 1):
                probe = lo + bit
                vals = plsc.load_gather(bnd_v, [probe - 1])
                lo = jnp.where(vals <= x, probe, lo)
            idx_v[pl.ds(i * _LANES, _LANES)] = lo
            return carry

        lax.fori_loop(0, bpw // _LANES, bucketize, 0)

        def gather_desc(c):
            buf = c % nbuf
            return pltpu.make_async_copy(
                table_hbm.at[idx_v.at[pl.ds(c * chunk, chunk)]],
                rows_v.at[buf], gsem[buf])

        def write_desc(c):
            buf = c % nbuf
            return pltpu.make_async_copy(
                rows_v.at[buf], out_hbm.at[pl.ds(base + c * chunk, chunk)],
                wsem[buf])

        for c in range(nbuf - 1):
            gather_desc(c).start()
        for c in range(n_chunks):
            gather_desc(c).wait()
            write_desc(c).start()
            nxt = c + nbuf - 1
            if nxt < n_chunks:
                if c >= 1:
                    write_desc(c - 1).wait()
                gather_desc(nxt).start()
        for c in range(max(0, n_chunks - nbuf), n_chunks):
            write_desc(c).wait()

    return k


@functools.cache
def _make_tc_kernel(B, S, NB, D, TB):
    off = S // TB

    def body(clip_ref, bnds_ref, tab3_ref, prev_ref, out_ref):
        del prev_ref
        i = pl.program_id(0)
        x = clip_ref[pl.ds(off + i, 1), :]
        low = bnds_ref[:, 0:1]
        high = bnds_ref[:, 1:2]
        ohT = ((x >= low) & (x < high)).astype(jnp.bfloat16)

        def sel(k):
            return lax.dot_general(
                ohT, tab3_ref[:, pl.ds(k * D, D)], (((0,), (0,)), ((), ())),
                preferred_element_type=jnp.float32)

        out_ref[...] = (sel(0) + sel(1)) + sel(2)

    return pl.pallas_call(
        body,
        grid=((B - S) // TB,),
        in_specs=[
            pl.BlockSpec((B // TB, TB), lambda i: (0, 0)),
            pl.BlockSpec((NB, 2), lambda i: (0, 0)),
            pl.BlockSpec((NB, 3 * D), lambda i: (0, 0)),
            pl.BlockSpec(memory_space=pl.ANY),
        ],
        out_specs=pl.BlockSpec((TB, D), lambda i: (i + off, 0)),
        out_shape=jax.ShapeDtypeStruct((B, D), jnp.float32),
        input_output_aliases={3: 0},
    )


def kernel(bsz, clip_sim, boundary, control_embedding):
    B = clip_sim.shape[0]
    D = control_embedding.shape[1]
    NB = control_embedding.shape[0]
    clip = clip_sim.reshape(B)
    bnd = jnp.concatenate([boundary, jnp.full((1,), jnp.inf, jnp.float32)])

    S = 6144
    nw = 32
    sc = _make_sc_kernel(B, D, bnd.shape[0], S // nw, 32, 2)
    sc_out = sc(clip, bnd, control_embedding)

    TB = 2048
    bnds = jnp.stack([
        jnp.concatenate([jnp.full((1,), -jnp.inf, jnp.float32), boundary]),
        jnp.concatenate([boundary, jnp.full((1,), jnp.inf, jnp.float32)]),
    ], axis=1)
    def bf16_trunc(v):
        bits = lax.bitcast_convert_type(v, jnp.int32)
        return lax.bitcast_convert_type(bits & jnp.int32(-65536),
                                        jnp.float32)

    hi_f = bf16_trunc(control_embedding)
    r = control_embedding - hi_f
    lo1_f = bf16_trunc(r)
    lo2_f = r - lo1_f
    tab3 = jnp.concatenate(
        [hi_f.astype(jnp.bfloat16), lo1_f.astype(jnp.bfloat16),
         lo2_f.astype(jnp.bfloat16)], axis=1)
    tc = _make_tc_kernel(B, S, NB, D, TB)
    return tc(clip.reshape(B // TB, TB), bnds, tab3, sc_out)

# --- scband reference (transcript-rebuilt; emitter-appended) ---
"""Pipeline reference for scband-control-encoder-86294482912124 (READ-ONLY COPY).

The authoritative reference and input builder live on the scoring server;
editing this copy changes nothing except your own understanding.
"""

import jax, jax.numpy as jnp
import numpy as np

NUM_BINS = 256
DEC_EMB_SIZE = 1024
BSZ = 16384


def setup_inputs(seed: int = 0) -> dict:
    key = jax.random.key(seed)
    k1, k2, k3 = jax.random.split(key, 3)
    # clip similarity scores in [0, 1), shape [bsz, 1] (per-sample scalar signal)
    clip_sim = jax.random.uniform(k1, (BSZ, 1), dtype=jnp.float32)
    # interior bin edges of a fitted KBinsDiscretizer: num_bins - 1 sorted boundaries
    boundary = jnp.sort(jax.random.uniform(k2, (NUM_BINS - 1,), dtype=jnp.float32))
    # learned control embedding table [num_bins, dec_emb_size]
    control_embedding = jax.random.normal(k3, (NUM_BINS, DEC_EMB_SIZE), dtype=jnp.float32) * 0.02
    return {
        "bsz": BSZ,
        "clip_sim": clip_sim,
        "boundary": boundary,
        "control_embedding": control_embedding,
    }


def reference(bsz, clip_sim, boundary, control_embedding):
    # stage == 'train' path of ControlEncoder.forward:
    # torch.bucketize(x, boundary, right=True) == searchsorted(boundary, x, side='right')
    control_signal = jnp.searchsorted(boundary, clip_sim, side='right')  # int32 [bsz, 1]
    # nn.Embedding lookup followed by squeeze(1): [bsz, 1, d] -> [bsz, d]
    control_emb = jnp.take(control_embedding, control_signal, axis=0)
    return jnp.squeeze(control_emb, axis=1)

if __name__ == "__main__":
    import jax
    _d = setup_inputs()
    print(jax.jit(kernel)(*tuple(_d.values())))

</pallas_src>

<mosaic_0001>
#map = affine_map<(d0, d1) -> (0)>
#map1 = affine_map<(d0, d1) -> (0, 0)>
module attributes {stable_mosaic.version = 14 : i64} {
  func.func @k(%arg0: i32, %arg1: i32, %arg2: memref<16384xf32, #tpu.memory_space<hbm>>, %arg3: memref<256xf32, #tpu.memory_space<hbm>>, %arg4: memref<256x1024xf32, #tpu.memory_space<hbm>>, %arg5: memref<16384x1024xf32, #tpu.memory_space<hbm>>, %arg6: memref<256xf32, #tpu.memory_space<vmem>>, %arg7: memref<192xf32, #tpu.memory_space<vmem>>, %arg8: memref<192xi32, #tpu.memory_space<vmem>>, %arg9: memref<2x32x1024xf32, #tpu.memory_space<vmem>>, %arg10: memref<!tpu.dma_semaphore, #tpu.memory_space<semaphore_mem>>, %arg11: memref<!tpu.dma_semaphore, #tpu.memory_space<semaphore_mem>>, %arg12: memref<!tpu.dma_semaphore, #tpu.memory_space<semaphore_mem>>, %arg13: memref<!tpu.dma_semaphore, #tpu.memory_space<semaphore_mem>>) attributes {dimension_semantics = [#tpu.dimension_semantics<core_parallel>, #tpu.dimension_semantics<subcore_parallel>], iteration_bounds = array<i64: 2, 16>, scalar_prefetch = 0 : i64, scratch_operands = 8 : i64, tpu.core_type = #tpu.core_type<sc_vector_subcore>, window_params = [{transform_indices = #map}, {transform_indices = #map}, {transform_indices = #map1}, {transform_indices = #map1}]} {
    %mul3A = arith.constant 2 : i32
    %mul3A_0 = arith.muli %arg1, %mul3A : i32
    %add3A = arith.addi %mul3A_0, %arg0 : i32
    %mul3A_1 = arith.constant 192 : i32
    %mul3A_2 = arith.muli %add3A, %mul3A_1 : i32
    "tpu.region"() ({
      %run_scoped3A = tpu.sem_alloc : memref<!tpu.dma_semaphore, #tpu.memory_space<semaphore_mem>>
      tpu.enqueue_dma source(%arg3 : memref<256xf32, #tpu.memory_space<hbm>>) target(%arg6 : memref<256xf32, #tpu.memory_space<vmem>>) target_semaphore(%run_scoped3A : memref<!tpu.dma_semaphore, #tpu.memory_space<semaphore_mem>>)
      tpu.wait_dma2 semaphore(%run_scoped3A : memref<!tpu.dma_semaphore, #tpu.memory_space<semaphore_mem>>) src(%arg3 : memref<256xf32, #tpu.memory_space<hbm>>) dst(%arg6 : memref<256xf32, #tpu.memory_space<vmem>>)
      tpu.yield
    }) : () -> ()
    "tpu.region"() ({
      %run_scoped3A = tpu.sem_alloc : memref<!tpu.dma_semaphore, #tpu.memory_space<semaphore_mem>>
      %dma_start3A_306 = tpu.memref_slice %arg2[%mul3A_2] : memref<16384xf32, #tpu.memory_space<hbm>> -> memref<192xf32, #tpu.memory_space<hbm>>
      %dma_start3A_307 = tpu.memref_slice %arg2[%mul3A_2] : memref<16384xf32, #tpu.memory_space<hbm>> -> memref<192xf32, #tpu.memory_space<hbm>>
      tpu.enqueue_dma source(%dma_start3A_307 : memref<192xf32, #tpu.memory_space<hbm>>) target(%arg7 : memref<192xf32, #tpu.memory_space<vmem>>) target_semaphore(%run_scoped3A : memref<!tpu.dma_semaphore, #tpu.memory_space<semaphore_mem>>)
      %dma_wait3A_308 = tpu.memref_slice %arg2[%mul3A_2] : memref<16384xf32, #tpu.memory_space<hbm>> -> memref<192xf32, #tpu.memory_space<hbm>>
      %dma_wait3A_309 = tpu.memref_slice %arg2[%mul3A_2] : memref<16384xf32, #tpu.memory_space<hbm>> -> memref<192xf32, #tpu.memory_space<hbm>>
      tpu.wait_dma2 semaphore(%run_scoped3A : memref<!tpu.dma_semaphore, #tpu.memory_space<semaphore_mem>>) src(%dma_wait3A_309 : memref<192xf32, #tpu.memory_space<hbm>>) dst(%arg7 : memref<192xf32, #tpu.memory_space<vmem>>)
      tpu.yield
    }) : () -> ()
    %scan3A = arith.constant 0 : i32
    %scan3A_3 = arith.constant 0 : i32
    %scan3A_4 = arith.constant 12 : i32
    %scan3A_5 = arith.addi %scan3A_3, %scan3A_4 : i32
    %scan3A_6 = arith.constant 1 : i32
    scf.for %scan3A_306 = %scan3A_3 to %scan3A_5 step %scan3A_6  : i32 {
      %mul3A_307 = arith.constant 16 : i32
      %mul3A_308 = arith.muli %scan3A_306, %mul3A_307 : i32
      %get3A = arith.index_cast %mul3A_308 : i32 to index
      %get3A_309 = tpu.vector_load %arg7[%get3A] {strides = array<i32>} : memref<192xf32, #tpu.memory_space<vmem>>, vector<16xf32>,
      %broadcast_in_dim3A = arith.constant 0 : i32
      %broadcast_in_dim3A_310 = vector.broadcast %broadcast_in_dim3A : i32 to vector<16xi32>
      %add3A_311 = arith.constant 128 : i32
      %add3A_312 = vector.broadcast %add3A_311 : i32 to vector<16xi32>
      %add3A_313 = arith.addi %broadcast_in_dim3A_310, %add3A_312 : vector<16xi32>
      %sub3A = arith.constant 1 : i32
      %sub3A_314 = vector.broadcast %sub3A : i32 to vector<16xi32>
      %sub3A_315 = arith.subi %add3A_313, %sub3A_314 : vector<16xi32>
      %gather3A = tpu.vector_load_idx %arg6[%sub3A_315] : memref<256xf32, #tpu.memory_space<vmem>>[vector<16xi32>], vector<16xf32>,
      %le3A = arith.cmpf ole, %gather3A, %get3A_309 : vector<16xf32>
      %select_n3A = arith.select %le3A, %add3A_313, %broadcast_in_dim3A_310 : vector<16xi1>, vector<16xi32>
      %add3A_316 = arith.constant 64 : i32
      %add3A_317 = vector.broadcast %add3A_316 : i32 to vector<16xi32>
      %add3A_318 = arith.addi %select_n3A, %add3A_317 : vector<16xi32>
      %sub3A_319 = arith.constant 1 : i32
      %sub3A_320 = vector.broadcast %sub3A_319 : i32 to vector<16xi32>
      %sub3A_321 = arith.subi %add3A_318, %sub3A_320 : vector<16xi32>
      %gather3A_322 = tpu.vector_load_idx %arg6[%sub3A_321] : memref<256xf32, #tpu.memory_space<vmem>>[vector<16xi32>], vector<16xf32>,
      %le3A_323 = arith.cmpf ole, %gather3A_322, %get3A_309 : vector<16xf32>
      %select_n3A_324 = arith.select %le3A_323, %add3A_318, %select_n3A : vector<16xi1>, vector<16xi32>
      %add3A_325 = arith.constant 32 : i32
      %add3A_326 = vector.broadcast %add3A_325 : i32 to vector<16xi32>
      %add3A_327 = arith.addi %select_n3A_324, %add3A_326 : vector<16xi32>
      %sub3A_328 = arith.constant 1 : i32
      %sub3A_329 = vector.broadcast %sub3A_328 : i32 to vector<16xi32>
      %sub3A_330 = arith.subi %add3A_327, %sub3A_329 : vector<16xi32>
      %gather3A_331 = tpu.vector_load_idx %arg6[%sub3A_330] : memref<256xf32, #tpu.memory_space<vmem>>[vector<16xi32>], vector<16xf32>,
      %le3A_332 = arith.cmpf ole, %gather3A_331, %get3A_309 : vector<16xf32>
      %select_n3A_333 = arith.select %le3A_332, %add3A_327, %select_n3A_324 : vector<16xi1>, vector<16xi32>
      %add3A_334 = arith.constant 16 : i32
      %add3A_335 = vector.broadcast %add3A_334 : i32 to vector<16xi32>
      %add3A_336 = arith.addi %select_n3A_333, %add3A_335 : vector<16xi32>
      %sub3A_337 = arith.constant 1 : i32
      %sub3A_338 = vector.broadcast %sub3A_337 : i32 to vector<16xi32>
      %sub3A_339 = arith.subi %add3A_336, %sub3A_338 : vector<16xi32>
      %gather3A_340 = tpu.vector_load_idx %arg6[%sub3A_339] : memref<256xf32, #tpu.memory_space<vmem>>[vector<16xi32>], vector<16xf32>,
      %le3A_341 = arith.cmpf ole, %gather3A_340, %get3A_309 : vector<16xf32>
      %select_n3A_342 = arith.select %le3A_341, %add3A_336, %select_n3A_333 : vector<16xi1>, vector<16xi32>
      %add3A_343 = arith.constant 8 : i32
      %add3A_344 = vector.broadcast %add3A_343 : i32 to vector<16xi32>
      %add3A_345 = arith.addi %select_n3A_342, %add3A_344 : vector<16xi32>
      %sub3A_346 = arith.constant 1 : i32
      %sub3A_347 = vector.broadcast %sub3A_346 : i32 to vector<16xi32>
      %sub3A_348 = arith.subi %add3A_345, %sub3A_347 : vector<16xi32>
      %gather3A_349 = tpu.vector_load_idx %arg6[%sub3A_348] : memref<256xf32, #tpu.memory_space<vmem>>[vector<16xi32>], vector<16xf32>,
      %le3A_350 = arith.cmpf ole, %gather3A_349, %get3A_309 : vector<16xf32>
      %select_n3A_351 = arith.select %le3A_350, %add3A_345, %select_n3A_342 : vector<16xi1>, vector<16xi32>
      %add3A_352 = arith.constant 4 : i32
      %add3A_353 = vector.broadcast %add3A_352 : i32 to vector<16xi32>
      %add3A_354 = arith.addi %select_n3A_351, %add3A_353 : vector<16xi32>
      %sub3A_355 = arith.constant 1 : i32
      %sub3A_356 = vector.broadcast %sub3A_355 : i32 to vector<16xi32>
      %sub3A_357 = arith.subi %add3A_354, %sub3A_356 : vector<16xi32>
      %gather3A_358 = tpu.vector_load_idx %arg6[%sub3A_357] : memref<256xf32, #tpu.memory_space<vmem>>[vector<16xi32>], vector<16xf32>,
      %le3A_359 = arith.cmpf ole, %gather3A_358, %get3A_309 : vector<16xf32>
      %select_n3A_360 = arith.select %le3A_359, %add3A_354, %select_n3A_351 : vector<16xi1>, vector<16xi32>
      %add3A_361 = arith.constant 2 : i32
      %add3A_362 = vector.broadcast %add3A_361 : i32 to vector<16xi32>
      %add3A_363 = arith.addi %select_n3A_360, %add3A_362 : vector<16xi32>
      %sub3A_364 = arith.constant 1 : i32
      %sub3A_365 = vector.broadcast %sub3A_364 : i32 to vector<16xi32>
      %sub3A_366 = arith.subi %add3A_363, %sub3A_365 : vector<16xi32>
      %gather3A_367 = tpu.vector_load_idx %arg6[%sub3A_366] : memref<256xf32, #tpu.memory_space<vmem>>[vector<16xi32>], vector<16xf32>,
      %le3A_368 = arith.cmpf ole, %gather3A_367, %get3A_309 : vector<16xf32>
      %select_n3A_369 = arith.select %le3A_368, %add3A_363, %select_n3A_360 : vector<16xi1>, vector<16xi32>
      %add3A_370 = arith.constant 1 : i32
      %add3A_371 = vector.broadcast %add3A_370 : i32 to vector<16xi32>
      %add3A_372 = arith.addi %select_n3A_369, %add3A_371 : vector<16xi32>
      %sub3A_373 = arith.constant 1 : i32
      %sub3A_374 = vector.broadcast %sub3A_373 : i32 to vector<16xi32>
      %sub3A_375 = arith.subi %add3A_372, %sub3A_374 : vector<16xi32>
      %gather3A_376 = tpu.vector_load_idx %arg6[%sub3A_375] : memref<256xf32, #tpu.memory_space<vmem>>[vector<16xi32>], vector<16xf32>,
      %le3A_377 = arith.cmpf ole, %gather3A_376, %get3A_309 : vector<16xf32>
      %select_n3A_378 = arith.select %le3A_377, %add3A_372, %select_n3A_369 : vector<16xi1>, vector<16xi32>
      %mul3A_379 = arith.constant 16 : i32
      %mul3A_380 = arith.muli %scan3A_306, %mul3A_379 : i32
      %swap3A = arith.index_cast %mul3A_380 : i32 to index
      %swap3A_381 = tpu.vector_load %arg8[%swap3A] {strides = array<i32>} : memref<192xi32, #tpu.memory_space<vmem>>, vector<16xi32>,
      tpu.vector_store %arg8[%swap3A], %select_n3A_378 {strides = array<i32>} : memref<192xi32, #tpu.memory_space<vmem>>, vector<16xi32>,
    }
    %scan3A_7 = arith.constant 12 : i32
    %dma_start3A = arith.constant 0 : i32
    %dma_start3A_8 = arith.constant 0 : i32
    %dma_start3A_9 = arith.constant 0 : i32
    %dma_start3A_10 = tpu.memref_slice %arg9[%dma_start3A, %dma_start3A_8, %dma_start3A_9] : memref<2x32x1024xf32, #tpu.memory_space<vmem>> -> memref<1x32x1024xf32, #tpu.memory_space<vmem>>
    %dma_start3A_11 = tpu.memref_squeeze %dma_start3A_10 : memref<1x32x1024xf32, #tpu.memory_space<vmem>> -> memref<32x1024xf32, #tpu.memory_space<vmem>>
    %dma_start3A_12 = arith.constant 0 : i32
    %dma_start3A_13 = tpu.memref_slice %arg8[%dma_start3A_12] : memref<192xi32, #tpu.memory_space<vmem>> -> memref<32xi32, #tpu.memory_space<vmem>>
    %dma_start3A_14 = arith.constant 0 : i32
    %dma_start3A_15 = arith.constant 0 : i32
    %dma_start3A_16 = tpu.memref_slice %arg4[%dma_start3A_14, %dma_start3A_15] : memref<256x1024xf32, #tpu.memory_space<hbm>> -> memref<256x1024xf32, #tpu.memory_space<hbm>>
    tpu.enqueue_indirect_dma source(%dma_start3A_16 : memref<256x1024xf32, #tpu.memory_space<hbm>>) target(%dma_start3A_11 : memref<32x1024xf32, #tpu.memory_space<vmem>>) offsets(%dma_start3A_13 : memref<32xi32, #tpu.memory_space<vmem>>) semaphore(%arg10 : memref<!tpu.dma_semaphore, #tpu.memory_space<semaphore_mem>>)
    %dma_wait3A = arith.constant 0 : i32
    %dma_wait3A_17 = arith.constant 0 : i32
    %dma_wait3A_18 = arith.constant 0 : i32
    %dma_wait3A_19 = tpu.memref_slice %arg9[%dma_wait3A, %dma_wait3A_17, %dma_wait3A_18] : memref<2x32x1024xf32, #tpu.memory_space<vmem>> -> memref<1x32x1024xf32, #tpu.memory_space<vmem>>
    %dma_wait3A_20 = tpu.memref_squeeze %dma_wait3A_19 : memref<1x32x1024xf32, #tpu.memory_space<vmem>> -> memref<32x1024xf32, #tpu.memory_space<vmem>>
    %dma_wait3A_21 = arith.constant 0 : i32
    %dma_wait3A_22 = tpu.memref_slice %arg8[%dma_wait3A_21] : memref<192xi32, #tpu.memory_space<vmem>> -> memref<32xi32, #tpu.memory_space<vmem>>
    %dma_wait3A_23 = arith.constant 0 : i32
    %dma_wait3A_24 = arith.constant 0 : i32
    %dma_wait3A_25 = tpu.memref_slice %arg4[%dma_wait3A_23, %dma_wait3A_24] : memref<256x1024xf32, #tpu.memory_space<hbm>> -> memref<256x1024xf32, #tpu.memory_space<hbm>>
    tpu.wait_indirect_dma semaphore(%arg10 : memref<!tpu.dma_semaphore, #tpu.memory_space<semaphore_mem>>) src(%dma_wait3A_25 : memref<256x1024xf32, #tpu.memory_space<hbm>>) dst(%dma_wait3A_20 : memref<32x1024xf32, #tpu.memory_space<vmem>>)
    %add3A_26 = arith.constant 0 : i32
    %add3A_27 = arith.addi %mul3A_2, %add3A_26 : i32
    %dma_start3A_28 = arith.constant 0 : i32
    %dma_start3A_29 = arith.constant 0 : i32
    %dma_start3A_30 = arith.constant 0 : i32
    %dma_start3A_31 = tpu.memref_slice %arg9[%dma_start3A_28, %dma_start3A_29, %dma_start3A_30] : memref<2x32x1024xf32, #tpu.memory_space<vmem>> -> memref<1x32x1024xf32, #tpu.memory_space<vmem>>
    %dma_start3A_32 = tpu.memref_squeeze %dma_start3A_31 : memref<1x32x1024xf32, #tpu.memory_space<vmem>> -> memref<32x1024xf32, #tpu.memory_space<vmem>>
    %dma_start3A_33 = arith.constant 0 : i32
    %dma_start3A_34 = tpu.memref_slice %arg5[%add3A_27, %dma_start3A_33] : memref<16384x1024xf32, #tpu.memory_space<hbm>> -> memref<32x1024xf32, #tpu.memory_space<hbm>>
    %dma_start3A_35 = arith.constant 0 : i32
    %dma_start3A_36 = tpu.memref_slice %arg5[%add3A_27, %dma_start3A_35] : memref<16384x1024xf32, #tpu.memory_space<hbm>> -> memref<32x1024xf32, #tpu.memory_space<hbm>>
    %dma_start3A_37 = arith.constant 0 : i32
    %dma_start3A_38 = arith.constant 0 : i32
    %dma_start3A_39 = tpu.memref_slice %arg9[%dma_start3A_28, %dma_start3A_37, %dma_start3A_38] : memref<2x32x1024xf32, #tpu.memory_space<vmem>> -> memref<1x32x1024xf32, #tpu.memory_space<vmem>>
    %dma_start3A_40 = tpu.memref_squeeze %dma_start3A_39 : memref<1x32x1024xf32, #tpu.memory_space<vmem>> -> memref<32x1024xf32, #tpu.memory_space<vmem>>
    tpu.enqueue_dma source(%dma_start3A_40 : memref<32x1024xf32, #tpu.memory_space<vmem>>) target(%dma_start3A_36 : memref<32x1024xf32, #tpu.memory_space<hbm>>) target_semaphore(%arg12 : memref<!tpu.dma_semaphore, #tpu.memory_space<semaphore_mem>>)
    %dma_start3A_41 = arith.constant 1 : i32
    %dma_start3A_42 = arith.constant 0 : i32
    %dma_start3A_43 = arith.constant 0 : i32
    %dma_start3A_44 = tpu.memref_slice %arg9[%dma_start3A_41, %dma_start3A_42, %dma_start3A_43] : memref<2x32x1024xf32, #tpu.memory_space<vmem>> -> memref<1x32x1024xf32, #tpu.memory_space<vmem>>
    %dma_start3A_45 = tpu.memref_squeeze %dma_start3A_44 : memref<1x32x1024xf32, #tpu.memory_space<vmem>> -> memref<32x1024xf32, #tpu.memory_space<vmem>>
    %dma_start3A_46 = arith.constant 32 : i32
    %dma_start3A_47 = tpu.memref_slice %arg8[%dma_start3A_46] : memref<192xi32, #tpu.memory_space<vmem>> -> memref<32xi32, #tpu.memory_space<vmem>>
    %dma_start3A_48 = arith.constant 0 : i32
    %dma_start3A_49 = arith.constant 0 : i32
    %dma_start3A_50 = tpu.memref_slice %arg4[%dma_start3A_48, %dma_start3A_49] : memref<256x1024xf32, #tpu.memory_space<hbm>> -> memref<256x1024xf32, #tpu.memory_space<hbm>>
    tpu.enqueue_indirect_dma source(%dma_start3A_50 : memref<256x1024xf32, #tpu.memory_space<hbm>>) target(%dma_start3A_45 : memref<32x1024xf32, #tpu.memory_space<vmem>>) offsets(%dma_start3A_47 : memref<32xi32, #tpu.memory_space<vmem>>) semaphore(%arg11 : memref<!tpu.dma_semaphore, #tpu.memory_space<semaphore_mem>>)
    %dma_wait3A_51 = arith.constant 1 : i32
    %dma_wait3A_52 = arith.constant 0 : i32
    %dma_wait3A_53 = arith.constant 0 : i32
    %dma_wait3A_54 = tpu.memref_slice %arg9[%dma_wait3A_51, %dma_wait3A_52, %dma_wait3A_53] : memref<2x32x1024xf32, #tpu.memory_space<vmem>> -> memref<1x32x1024xf32, #tpu.memory_space<vmem>>
    %dma_wait3A_55 = tpu.memref_squeeze %dma_wait3A_54 : memref<1x32x1024xf32, #tpu.memory_space<vmem>> -> memref<32x1024xf32, #tpu.memory_space<vmem>>
    %dma_wait3A_56 = arith.constant 32 : i32
    %dma_wait3A_57 = tpu.memref_slice %arg8[%dma_wait3A_56] : memref<192xi32, #tpu.memory_space<vmem>> -> memref<32xi32, #tpu.memory_space<vmem>>
    %dma_wait3A_58 = arith.constant 0 : i32
    %dma_wait3A_59 = arith.constant 0 : i32
    %dma_wait3A_60 = tpu.memref_slice %arg4[%dma_wait3A_58, %dma_wait3A_59] : memref<256x1024xf32, #tpu.memory_space<hbm>> -> memref<256x1024xf32, #tpu.memory_space<hbm>>
    tpu.wait_indirect_dma semaphore(%arg11 : memref<!tpu.dma_semaphore, #tpu.memory_space<semaphore_mem>>) src(%dma_wait3A_60 : memref<256x1024xf32, #tpu.memory_space<hbm>>) dst(%dma_wait3A_55 : memref<32x1024xf32, #tpu.memory_space<vmem>>)
    %add3A_61 = arith.constant 32 : i32
    %add3A_62 = arith.addi %mul3A_2, %add3A_61 : i32
    %dma_start3A_63 = arith.constant 1 : i32
    %dma_start3A_64 = arith.constant 0 : i32
    %dma_start3A_65 = arith.constant 0 : i32
    %dma_start3A_66 = tpu.memref_slice %arg9[%dma_start3A_63, %dma_start3A_64, %dma_start3A_65] : memref<2x32x1024xf32, #tpu.memory_space<vmem>> -> memref<1x32x1024xf32, #tpu.memory_space<vmem>>
    %dma_start3A_67 = tpu.memref_squeeze %dma_start3A_66 : memref<1x32x1024xf32, #tpu.memory_space<vmem>> -> memref<32x1024xf32, #tpu.memory_space<vmem>>
    %dma_start3A_68 = arith.constant 0 : i32
    %dma_start3A_69 = tpu.memref_slice %arg5[%add3A_62, %dma_start3A_68] : memref<16384x1024xf32, #tpu.memory_space<hbm>> -> memref<32x1024xf32, #tpu.memory_space<hbm>>
    %dma_start3A_70 = arith.constant 0 : i32
    %dma_start3A_71 = tpu.memref_slice %arg5[%add3A_62, %dma_start3A_70] : memref<16384x1024xf32, #tpu.memory_space<hbm>> -> memref<32x1024xf32, #tpu.memory_space<hbm>>
    %dma_start3A_72 = arith.constant 0 : i32
    %dma_start3A_73 = arith.constant 0 : i32
    %dma_start3A_74 = tpu.memref_slice %arg9[%dma_start3A_63, %dma_start3A_72, %dma_start3A_73] : memref<2x32x1024xf32, #tpu.memory_space<vmem>> -> memref<1x32x1024xf32, #tpu.memory_space<vmem>>
    %dma_start3A_75 = tpu.memref_squeeze %dma_start3A_74 : memref<1x32x1024xf32, #tpu.memory_space<vmem>> -> memref<32x1024xf32, #tpu.memory_space<vmem>>
    tpu.enqueue_dma source(%dma_start3A_75 : memref<32x1024xf32, #tpu.memory_space<vmem>>) target(%dma_start3A_71 : memref<32x1024xf32, #tpu.memory_space<hbm>>) target_semaphore(%arg13 : memref<!tpu.dma_semaphore, #tpu.memory_space<semaphore_mem>>)
    %add3A_76 = arith.constant 0 : i32
    %add3A_77 = arith.addi %mul3A_2, %add3A_76 : i32
    %dma_wait3A_78 = arith.constant 0 : i32
    %dma_wait3A_79 = arith.constant 0 : i32
    %dma_wait3A_80 = arith.constant 0 : i32
    %dma_wait3A_81 = tpu.memref_slice %arg9[%dma_wait3A_78, %dma_wait3A_79, %dma_wait3A_80] : memref<2x32x1024xf32, #tpu.memory_space<vmem>> -> memref<1x32x1024xf32, #tpu.memory_space<vmem>>
    %dma_wait3A_82 = tpu.memref_squeeze %dma_wait3A_81 : memref<1x32x1024xf32, #tpu.memory_space<vmem>> -> memref<32x1024xf32, #tpu.memory_space<vmem>>
    %dma_wait3A_83 = arith.constant 0 : i32
    %dma_wait3A_84 = tpu.memref_slice %arg5[%add3A_77, %dma_wait3A_83] : memref<16384x1024xf32, #tpu.memory_space<hbm>> -> memref<32x1024xf32, #tpu.memory_space<hbm>>
    %dma_wait3A_85 = arith.constant 0 : i32
    %dma_wait3A_86 = tpu.memref_slice %arg5[%add3A_77, %dma_wait3A_85] : memref<16384x1024xf32, #tpu.memory_space<hbm>> -> memref<32x1024xf32, #tpu.memory_space<hbm>>
    %dma_wait3A_87 = arith.constant 0 : i32
    %dma_wait3A_88 = arith.constant 0 : i32
    %dma_wait3A_89 = tpu.memref_slice %arg9[%dma_wait3A_78, %dma_wait3A_87, %dma_wait3A_88] : memref<2x32x1024xf32, #tpu.memory_space<vmem>> -> memref<1x32x1024xf32, #tpu.memory_space<vmem>>
    %dma_wait3A_90 = tpu.memref_squeeze %dma_wait3A_89 : memref<1x32x1024xf32, #tpu.memory_space<vmem>> -> memref<32x1024xf32, #tpu.memory_space<vmem>>
    tpu.wait_dma2 semaphore(%arg12 : memref<!tpu.dma_semaphore, #tpu.memory_space<semaphore_mem>>) src(%dma_wait3A_90 : memref<32x1024xf32, #tpu.memory_space<vmem>>) dst(%dma_wait3A_86 : memref<32x1024xf32, #tpu.memory_space<hbm>>)
    %dma_start3A_91 = arith.constant 0 : i32
    %dma_start3A_92 = arith.constant 0 : i32
    %dma_start3A_93 = arith.constant 0 : i32
    %dma_start3A_94 = tpu.memref_slice %arg9[%dma_start3A_91, %dma_start3A_92, %dma_start3A_93] : memref<2x32x1024xf32, #tpu.memory_space<vmem>> -> memref<1x32x1024xf32, #tpu.memory_space<vmem>>
    %dma_start3A_95 = tpu.memref_squeeze %dma_start3A_94 : memref<1x32x1024xf32, #tpu.memory_space<vmem>> -> memref<32x1024xf32, #tpu.memory_space<vmem>>
    %dma_start3A_96 = arith.constant 64 : i32
    %dma_start3A_97 = tpu.memref_slice %arg8[%dma_start3A_96] : memref<192xi32, #tpu.memory_space<vmem>> -> memref<32xi32, #tpu.memory_space<vmem>>
    %dma_start3A_98 = arith.constant 0 : i32
    %dma_start3A_99 = arith.constant 0 : i32
    %dma_start3A_100 = tpu.memref_slice %arg4[%dma_start3A_98, %dma_start3A_99] : memref<256x1024xf32, #tpu.memory_space<hbm>> -> memref<256x1024xf32, #tpu.memory_space<hbm>>
    tpu.enqueue_indirect_dma source(%dma_start3A_100 : memref<256x1024xf32, #tpu.memory_space<hbm>>) target(%dma_start3A_95 : memref<32x1024xf32, #tpu.memory_space<vmem>>) offsets(%dma_start3A_97 : memref<32xi32, #tpu.memory_space<vmem>>) semaphore(%arg10 : memref<!tpu.dma_semaphore, #tpu.memory_space<semaphore_mem>>)
    %dma_wait3A_101 = arith.constant 0 : i32
    %dma_wait3A_102 = arith.constant 0 : i32
    %dma_wait3A_103 = arith.constant 0 : i32
    %dma_wait3A_104 = tpu.memref_slice %arg9[%dma_wait3A_101, %dma_wait3A_102, %dma_wait3A_103] : memref<2x32x1024xf32, #tpu.memory_space<vmem>> -> memref<1x32x1024xf32, #tpu.memory_space<vmem>>
    %dma_wait3A_105 = tpu.memref_squeeze %dma_wait3A_104 : memref<1x32x1024xf32, #tpu.memory_space<vmem>> -> memref<32x1024xf32, #tpu.memory_space<vmem>>
    %dma_wait3A_106 = arith.constant 64 : i32
    %dma_wait3A_107 = tpu.memref_slice %arg8[%dma_wait3A_106] : memref<192xi32, #tpu.memory_space<vmem>> -> memref<32xi32, #tpu.memory_space<vmem>>
    %dma_wait3A_108 = arith.constant 0 : i32
    %dma_wait3A_109 = arith.constant 0 : i32
    %dma_wait3A_110 = tpu.memref_slice %arg4[%dma_wait3A_108, %dma_wait3A_109] : memref<256x1024xf32, #tpu.memory_space<hbm>> -> memref<256x1024xf32, #tpu.memory_space<hbm>>
    tpu.wait_indirect_dma semaphore(%arg10 : memref<!tpu.dma_semaphore, #tpu.memory_space<semaphore_mem>>) src(%dma_wait3A_110 : memref<256x1024xf32, #tpu.memory_space<hbm>>) dst(%dma_wait3A_105 : memref<32x1024xf32, #tpu.memory_space<vmem>>)
    %add3A_111 = arith.constant 64 : i32
    %add3A_112 = arith.addi %mul3A_2, %add3A_111 : i32
    %dma_start3A_113 = arith.constant 0 : i32
    %dma_start3A_114 = arith.constant 0 : i32
    %dma_start3A_115 = arith.constant 0 : i32
    %dma_start3A_116 = tpu.memref_slice %arg9[%dma_start3A_113, %dma_start3A_114, %dma_start3A_115] : memref<2x32x1024xf32, #tpu.memory_space<vmem>> -> memref<1x32x1024xf32, #tpu.memory_space<vmem>>
    %dma_start3A_117 = tpu.memref_squeeze %dma_start3A_116 : memref<1x32x1024xf32, #tpu.memory_space<vmem>> -> memref<32x1024xf32, #tpu.memory_space<vmem>>
    %dma_start3A_118 = arith.constant 0 : i32
    %dma_start3A_119 = tpu.memref_slice %arg5[%add3A_112, %dma_start3A_118] : memref<16384x1024xf32, #tpu.memory_space<hbm>> -> memref<32x1024xf32, #tpu.memory_space<hbm>>
    %dma_start3A_120 = arith.constant 0 : i32
    %dma_start3A_121 = tpu.memref_slice %arg5[%add3A_112, %dma_start3A_120] : memref<16384x1024xf32, #tpu.memory_space<hbm>> -> memref<32x1024xf32, #tpu.memory_space<hbm>>
    %dma_start3A_122 = arith.constant 0 : i32
    %dma_start3A_123 = arith.constant 0 : i32
    %dma_start3A_124 = tpu.memref_slice %arg9[%dma_start3A_113, %dma_start3A_122, %dma_start3A_123] : memref<2x32x1024xf32, #tpu.memory_space<vmem>> -> memref<1x32x1024xf32, #tpu.memory_space<vmem>>
    %dma_start3A_125 = tpu.memref_squeeze %dma_start3A_124 : memref<1x32x1024xf32, #tpu.memory_space<vmem>> -> memref<32x1024xf32, #tpu.memory_space<vmem>>
    tpu.enqueue_dma source(%dma_start3A_125 : memref<32x1024xf32, #tpu.memory_space<vmem>>) target(%dma_start3A_121 : memref<32x1024xf32, #tpu.memory_space<hbm>>) target_semaphore(%arg12 : memref<!tpu.dma_semaphore, #tpu.memory_space<semaphore_mem>>)
    %add3A_126 = arith.constant 32 : i32
    %add3A_127 = arith.addi %mul3A_2, %add3A_126 : i32
    %dma_wait3A_128 = arith.constant 1 : i32
    %dma_wait3A_129 = arith.constant 0 : i32
    %dma_wait3A_130 = arith.constant 0 : i32
    %dma_wait3A_131 = tpu.memref_slice %arg9[%dma_wait3A_128, %dma_wait3A_129, %dma_wait3A_130] : memref<2x32x1024xf32, #tpu.memory_space<vmem>> -> memref<1x32x1024xf32, #tpu.memory_space<vmem>>
    %dma_wait3A_132 = tpu.memref_squeeze %dma_wait3A_131 : memref<1x32x1024xf32, #tpu.memory_space<vmem>> -> memref<32x1024xf32, #tpu.memory_space<vmem>>
    %dma_wait3A_133 = arith.constant 0 : i32
    %dma_wait3A_134 = tpu.memref_slice %arg5[%add3A_127, %dma_wait3A_133] : memref<16384x1024xf32, #tpu.memory_space<hbm>> -> memref<32x1024xf32, #tpu.memory_space<hbm>>
    %dma_wait3A_135 = arith.constant 0 : i32
    %dma_wait3A_136 = tpu.memref_slice %arg5[%add3A_127, %dma_wait3A_135] : memref<16384x1024xf32, #tpu.memory_space<hbm>> -> memref<32x1024xf32, #tpu.memory_space<hbm>>
    %dma_wait3A_137 = arith.constant 0 : i32
    %dma_wait3A_138 = arith.constant 0 : i32
    %dma_wait3A_139 = tpu.memref_slice %arg9[%dma_wait3A_128, %dma_wait3A_137, %dma_wait3A_138] : memref<2x32x1024xf32, #tpu.memory_space<vmem>> -> memref<1x32x1024xf32, #tpu.memory_space<vmem>>
    %dma_wait3A_140 = tpu.memref_squeeze %dma_wait3A_139 : memref<1x32x1024xf32, #tpu.memory_space<vmem>> -> memref<32x1024xf32, #tpu.memory_space<vmem>>
    tpu.wait_dma2 semaphore(%arg13 : memref<!tpu.dma_semaphore, #tpu.memory_space<semaphore_mem>>) src(%dma_wait3A_140 : memref<32x1024xf32, #tpu.memory_space<vmem>>) dst(%dma_wait3A_136 : memref<32x1024xf32, #tpu.memory_space<hbm>>)
    %dma_start3A_141 = arith.constant 1 : i32
    %dma_start3A_142 = arith.constant 0 : i32
    %dma_start3A_143 = arith.constant 0 : i32
    %dma_start3A_144 = tpu.memref_slice %arg9[%dma_start3A_141, %dma_start3A_142, %dma_start3A_143] : memref<2x32x1024xf32, #tpu.memory_space<vmem>> -> memref<1x32x1024xf32, #tpu.memory_space<vmem>>
    %dma_start3A_145 = tpu.memref_squeeze %dma_start3A_144 : memref<1x32x1024xf32, #tpu.memory_space<vmem>> -> memref<32x1024xf32, #tpu.memory_space<vmem>>
    %dma_start3A_146 = arith.constant 96 : i32
    %dma_start3A_147 = tpu.memref_slice %arg8[%dma_start3A_146] : memref<192xi32, #tpu.memory_space<vmem>> -> memref<32xi32, #tpu.memory_space<vmem>>
    %dma_start3A_148 = arith.constant 0 : i32
    %dma_start3A_149 = arith.constant 0 : i32
    %dma_start3A_150 = tpu.memref_slice %arg4[%dma_start3A_148, %dma_start3A_149] : memref<256x1024xf32, #tpu.memory_space<hbm>> -> memref<256x1024xf32, #tpu.memory_space<hbm>>
    tpu.enqueue_indirect_dma source(%dma_start3A_150 : memref<256x1024xf32, #tpu.memory_space<hbm>>) target(%dma_start3A_145 : memref<32x1024xf32, #tpu.memory_space<vmem>>) offsets(%dma_start3A_147 : memref<32xi32, #tpu.memory_space<vmem>>) semaphore(%arg11 : memref<!tpu.dma_semaphore, #tpu.memory_space<semaphore_mem>>)
    %dma_wait3A_151 = arith.constant 1 : i32
    %dma_wait3A_152 = arith.constant 0 : i32
    %dma_wait3A_153 = arith.constant 0 : i32
    %dma_wait3A_154 = tpu.memref_slice %arg9[%dma_wait3A_151, %dma_wait3A_152, %dma_wait3A_153] : memref<2x32x1024xf32, #tpu.memory_space<vmem>> -> memref<1x32x1024xf32, #tpu.memory_space<vmem>>
    %dma_wait3A_155 = tpu.memref_squeeze %dma_wait3A_154 : memref<1x32x1024xf32, #tpu.memory_space<vmem>> -> memref<32x1024xf32, #tpu.memory_space<vmem>>
    %dma_wait3A_156 = arith.constant 96 : i32
    %dma_wait3A_157 = tpu.memref_slice %arg8[%dma_wait3A_156] : memref<192xi32, #tpu.memory_space<vmem>> -> memref<32xi32, #tpu.memory_space<vmem>>
    %dma_wait3A_158 = arith.constant 0 : i32
    %dma_wait3A_159 = arith.constant 0 : i32
    %dma_wait3A_160 = tpu.memref_slice %arg4[%dma_wait3A_158, %dma_wait3A_159] : memref<256x1024xf32, #tpu.memory_space<hbm>> -> memref<256x1024xf32, #tpu.memory_space<hbm>>
    tpu.wait_indirect_dma semaphore(%arg11 : memref<!tpu.dma_semaphore, #tpu.memory_space<semaphore_mem>>) src(%dma_wait3A_160 : memref<256x1024xf32, #tpu.memory_space<hbm>>) dst(%dma_wait3A_155 : memref<32x1024xf32, #tpu.memory_space<vmem>>)
    %add3A_161 = arith.constant 96 : i32
    %add3A_162 = arith.addi %mul3A_2, %add3A_161 : i32
    %dma_start3A_163 = arith.constant 1 : i32
    %dma_start3A_164 = arith.constant 0 : i32
    %dma_start3A_165 = arith.constant 0 : i32
    %dma_start3A_166 = tpu.memref_slice %arg9[%dma_start3A_163, %dma_start3A_164, %dma_start3A_165] : memref<2x32x1024xf32, #tpu.memory_space<vmem>> -> memref<1x32x1024xf32, #tpu.memory_space<vmem>>
    %dma_start3A_167 = tpu.memref_squeeze %dma_start3A_166 : memref<1x32x1024xf32, #tpu.memory_space<vmem>> -> memref<32x1024xf32, #tpu.memory_space<vmem>>
    %dma_start3A_168 = arith.constant 0 : i32
    %dma_start3A_169 = tpu.memref_slice %arg5[%add3A_162, %dma_start3A_168] : memref<16384x1024xf32, #tpu.memory_space<hbm>> -> memref<32x1024xf32, #tpu.memory_space<hbm>>
    %dma_start3A_170 = arith.constant 0 : i32
    %dma_start3A_171 = tpu.memref_slice %arg5[%add3A_162, %dma_start3A_170] : memref<16384x1024xf32, #tpu.memory_space<hbm>> -> memref<32x1024xf32, #tpu.memory_space<hbm>>
    %dma_start3A_172 = arith.constant 0 : i32
    %dma_start3A_173 = arith.constant 0 : i32
    %dma_start3A_174 = tpu.memref_slice %arg9[%dma_start3A_163, %dma_start3A_172, %dma_start3A_173] : memref<2x32x1024xf32, #tpu.memory_space<vmem>> -> memref<1x32x1024xf32, #tpu.memory_space<vmem>>
    %dma_start3A_175 = tpu.memref_squeeze %dma_start3A_174 : memref<1x32x1024xf32, #tpu.memory_space<vmem>> -> memref<32x1024xf32, #tpu.memory_space<vmem>>
    tpu.enqueue_dma source(%dma_start3A_175 : memref<32x1024xf32, #tpu.memory_space<vmem>>) target(%dma_start3A_171 : memref<32x1024xf32, #tpu.memory_space<hbm>>) target_semaphore(%arg13 : memref<!tpu.dma_semaphore, #tpu.memory_space<semaphore_mem>>)
    %add3A_176 = arith.constant 64 : i32
    %add3A_177 = arith.addi %mul3A_2, %add3A_176 : i32
    %dma_wait3A_178 = arith.constant 0 : i32
    %dma_wait3A_179 = arith.constant 0 : i32
    %dma_wait3A_180 = arith.constant 0 : i32
    %dma_wait3A_181 = tpu.memref_slice %arg9[%dma_wait3A_178, %dma_wait3A_179, %dma_wait3A_180] : memref<2x32x1024xf32, #tpu.memory_space<vmem>> -> memref<1x32x1024xf32, #tpu.memory_space<vmem>>
    %dma_wait3A_182 = tpu.memref_squeeze %dma_wait3A_181 : memref<1x32x1024xf32, #tpu.memory_space<vmem>> -> memref<32x1024xf32, #tpu.memory_space<vmem>>
    %dma_wait3A_183 = arith.constant 0 : i32
    %dma_wait3A_184 = tpu.memref_slice %arg5[%add3A_177, %dma_wait3A_183] : memref<16384x1024xf32, #tpu.memory_space<hbm>> -> memref<32x1024xf32, #tpu.memory_space<hbm>>
    %dma_wait3A_185 = arith.constant 0 : i32
    %dma_wait3A_186 = tpu.memref_slice %arg5[%add3A_177, %dma_wait3A_185] : memref<16384x1024xf32, #tpu.memory_space<hbm>> -> memref<32x1024xf32, #tpu.memory_space<hbm>>
    %dma_wait3A_187 = arith.constant 0 : i32
    %dma_wait3A_188 = arith.constant 0 : i32
    %dma_wait3A_189 = tpu.memref_slice %arg9[%dma_wait3A_178, %dma_wait3A_187, %dma_wait3A_188] : memref<2x32x1024xf32, #tpu.memory_space<vmem>> -> memref<1x32x1024xf32, #tpu.memory_space<vmem>>
    %dma_wait3A_190 = tpu.memref_squeeze %dma_wait3A_189 : memref<1x32x1024xf32, #tpu.memory_space<vmem>> -> memref<32x1024xf32, #tpu.memory_space<vmem>>
    tpu.wait_dma2 semaphore(%arg12 : memref<!tpu.dma_semaphore, #tpu.memory_space<semaphore_mem>>) src(%dma_wait3A_190 : memref<32x1024xf32, #tpu.memory_space<vmem>>) dst(%dma_wait3A_186 : memref<32x1024xf32, #tpu.memory_space<hbm>>)
    %dma_start3A_191 = arith.constant 0 : i32
    %dma_start3A_192 = arith.constant 0 : i32
    %dma_start3A_193 = arith.constant 0 : i32
    %dma_start3A_194 = tpu.memref_slice %arg9[%dma_start3A_191, %dma_start3A_192, %dma_start3A_193] : memref<2x32x1024xf32, #tpu.memory_space<vmem>> -> memref<1x32x1024xf32, #tpu.memory_space<vmem>>
    %dma_start3A_195 = tpu.memref_squeeze %dma_start3A_194 : memref<1x32x1024xf32, #tpu.memory_space<vmem>> -> memref<32x1024xf32, #tpu.memory_space<vmem>>
    %dma_start3A_196 = arith.constant 128 : i32
    %dma_start3A_197 = tpu.memref_slice %arg8[%dma_start3A_196] : memref<192xi32, #tpu.memory_space<vmem>> -> memref<32xi32, #tpu.memory_space<vmem>>
    %dma_start3A_198 = arith.constant 0 : i32
    %dma_start3A_199 = arith.constant 0 : i32
    %dma_start3A_200 = tpu.memref_slice %arg4[%dma_start3A_198, %dma_start3A_199] : memref<256x1024xf32, #tpu.memory_space<hbm>> -> memref<256x1024xf32, #tpu.memory_space<hbm>>
    tpu.enqueue_indirect_dma source(%dma_start3A_200 : memref<256x1024xf32, #tpu.memory_space<hbm>>) target(%dma_start3A_195 : memref<32x1024xf32, #tpu.memory_space<vmem>>) offsets(%dma_start3A_197 : memref<32xi32, #tpu.memory_space<vmem>>) semaphore(%arg10 : memref<!tpu.dma_semaphore, #tpu.memory_space<semaphore_mem>>)
    %dma_wait3A_201 = arith.constant 0 : i32
    %dma_wait3A_202 = arith.constant 0 : i32
    %dma_wait3A_203 = arith.constant 0 : i32
    %dma_wait3A_204 = tpu.memref_slice %arg9[%dma_wait3A_201, %dma_wait3A_202, %dma_wait3A_203] : memref<2x32x1024xf32, #tpu.memory_space<vmem>> -> memref<1x32x1024xf32, #tpu.memory_space<vmem>>
    %dma_wait3A_205 = tpu.memref_squeeze %dma_wait3A_204 : memref<1x32x1024xf32, #tpu.memory_space<vmem>> -> memref<32x1024xf32, #tpu.memory_space<vmem>>
    %dma_wait3A_206 = arith.constant 128 : i32
    %dma_wait3A_207 = tpu.memref_slice %arg8[%dma_wait3A_206] : memref<192xi32, #tpu.memory_space<vmem>> -> memref<32xi32, #tpu.memory_space<vmem>>
    %dma_wait3A_208 = arith.constant 0 : i32
    %dma_wait3A_209 = arith.constant 0 : i32
    %dma_wait3A_210 = tpu.memref_slice %arg4[%dma_wait3A_208, %dma_wait3A_209] : memref<256x1024xf32, #tpu.memory_space<hbm>> -> memref<256x1024xf32, #tpu.memory_space<hbm>>
    tpu.wait_indirect_dma semaphore(%arg10 : memref<!tpu.dma_semaphore, #tpu.memory_space<semaphore_mem>>) src(%dma_wait3A_210 : memref<256x1024xf32, #tpu.memory_space<hbm>>) dst(%dma_wait3A_205 : memref<32x1024xf32, #tpu.memory_space<vmem>>)
    %add3A_211 = arith.constant 128 : i32
    %add3A_212 = arith.addi %mul3A_2, %add3A_211 : i32
    %dma_start3A_213 = arith.constant 0 : i32
    %dma_start3A_214 = arith.constant 0 : i32
    %dma_start3A_215 = arith.constant 0 : i32
    %dma_start3A_216 = tpu.memref_slice %arg9[%dma_start3A_213, %dma_start3A_214, %dma_start3A_215] : memref<2x32x1024xf32, #tpu.memory_space<vmem>> -> memref<1x32x1024xf32, #tpu.memory_space<vmem>>
    %dma_start3A_217 = tpu.memref_squeeze %dma_start3A_216 : memref<1x32x1024xf32, #tpu.memory_space<vmem>> -> memref<32x1024xf32, #tpu.memory_space<vmem>>
    %dma_start3A_218 = arith.constant 0 : i32
    %dma_start3A_219 = tpu.memref_slice %arg5[%add3A_212, %dma_start3A_218] : memref<16384x1024xf32, #tpu.memory_space<hbm>> -> memref<32x1024xf32, #tpu.memory_space<hbm>>
    %dma_start3A_220 = arith.constant 0 : i32
    %dma_start3A_221 = tpu.memref_slice %arg5[%add3A_212, %dma_start3A_220] : memref<16384x1024xf32, #tpu.memory_space<hbm>> -> memref<32x1024xf32, #tpu.memory_space<hbm>>
    %dma_start3A_222 = arith.constant 0 : i32
    %dma_start3A_223 = arith.constant 0 : i32
    %dma_start3A_224 = tpu.memref_slice %arg9[%dma_start3A_213, %dma_start3A_222, %dma_start3A_223] : memref<2x32x1024xf32, #tpu.memory_space<vmem>> -> memref<1x32x1024xf32, #tpu.memory_space<vmem>>
    %dma_start3A_225 = tpu.memref_squeeze %dma_start3A_224 : memref<1x32x1024xf32, #tpu.memory_space<vmem>> -> memref<32x1024xf32, #tpu.memory_space<vmem>>
    tpu.enqueue_dma source(%dma_start3A_225 : memref<32x1024xf32, #tpu.memory_space<vmem>>) target(%dma_start3A_221 : memref<32x1024xf32, #tpu.memory_space<hbm>>) target_semaphore(%arg12 : memref<!tpu.dma_semaphore, #tpu.memory_space<semaphore_mem>>)
    %add3A_226 = arith.constant 96 : i32
    %add3A_227 = arith.addi %mul3A_2, %add3A_226 : i32
    %dma_wait3A_228 = arith.constant 1 : i32
    %dma_wait3A_229 = arith.constant 0 : i32
    %dma_wait3A_230 = arith.constant 0 : i32
    %dma_wait3A_231 = tpu.memref_slice %arg9[%dma_wait3A_228, %dma_wait3A_229, %dma_wait3A_230] : memref<2x32x1024xf32, #tpu.memory_space<vmem>> -> memref<1x32x1024xf32, #tpu.memory_space<vmem>>
    %dma_wait3A_232 = tpu.memref_squeeze %dma_wait3A_231 : memref<1x32x1024xf32, #tpu.memory_space<vmem>> -> memref<32x1024xf32, #tpu.memory_space<vmem>>
    %dma_wait3A_233 = arith.constant 0 : i32
    %dma_wait3A_234 = tpu.memref_slice %arg5[%add3A_227, %dma_wait3A_233] : memref<16384x1024xf32, #tpu.memory_space<hbm>> -> memref<32x1024xf32, #tpu.memory_space<hbm>>
    %dma_wait3A_235 = arith.constant 0 : i32
    %dma_wait3A_236 = tpu.memref_slice %arg5[%add3A_227, %dma_wait3A_235] : memref<16384x1024xf32, #tpu.memory_space<hbm>> -> memref<32x1024xf32, #tpu.memory_space<hbm>>
    %dma_wait3A_237 = arith.constant 0 : i32
    %dma_wait3A_238 = arith.constant 0 : i32
    %dma_wait3A_239 = tpu.memref_slice %arg9[%dma_wait3A_228, %dma_wait3A_237, %dma_wait3A_238] : memref<2x32x1024xf32, #tpu.memory_space<vmem>> -> memref<1x32x1024xf32, #tpu.memory_space<vmem>>
    %dma_wait3A_240 = tpu.memref_squeeze %dma_wait3A_239 : memref<1x32x1024xf32, #tpu.memory_space<vmem>> -> memref<32x1024xf32, #tpu.memory_space<vmem>>
    tpu.wait_dma2 semaphore(%arg13 : memref<!tpu.dma_semaphore, #tpu.memory_space<semaphore_mem>>) src(%dma_wait3A_240 : memref<32x1024xf32, #tpu.memory_space<vmem>>) dst(%dma_wait3A_236 : memref<32x1024xf32, #tpu.memory_space<hbm>>)
    %dma_start3A_241 = arith.constant 1 : i32
    %dma_start3A_242 = arith.constant 0 : i32
    %dma_start3A_243 = arith.constant 0 : i32
    %dma_start3A_244 = tpu.memref_slice %arg9[%dma_start3A_241, %dma_start3A_242, %dma_start3A_243] : memref<2x32x1024xf32, #tpu.memory_space<vmem>> -> memref<1x32x1024xf32, #tpu.memory_space<vmem>>
    %dma_start3A_245 = tpu.memref_squeeze %dma_start3A_244 : memref<1x32x1024xf32, #tpu.memory_space<vmem>> -> memref<32x1024xf32, #tpu.memory_space<vmem>>
    %dma_start3A_246 = arith.constant 160 : i32
    %dma_start3A_247 = tpu.memref_slice %arg8[%dma_start3A_246] : memref<192xi32, #tpu.memory_space<vmem>> -> memref<32xi32, #tpu.memory_space<vmem>>
    %dma_start3A_248 = arith.constant 0 : i32
    %dma_start3A_249 = arith.constant 0 : i32
    %dma_start3A_250 = tpu.memref_slice %arg4[%dma_start3A_248, %dma_start3A_249] : memref<256x1024xf32, #tpu.memory_space<hbm>> -> memref<256x1024xf32, #tpu.memory_space<hbm>>
    tpu.enqueue_indirect_dma source(%dma_start3A_250 : memref<256x1024xf32, #tpu.memory_space<hbm>>) target(%dma_start3A_245 : memref<32x1024xf32, #tpu.memory_space<vmem>>) offsets(%dma_start3A_247 : memref<32xi32, #tpu.memory_space<vmem>>) semaphore(%arg11 : memref<!tpu.dma_semaphore, #tpu.memory_space<semaphore_mem>>)
    %dma_wait3A_251 = arith.constant 1 : i32
    %dma_wait3A_252 = arith.constant 0 : i32
    %dma_wait3A_253 = arith.constant 0 : i32
    %dma_wait3A_254 = tpu.memref_slice %arg9[%dma_wait3A_251, %dma_wait3A_252, %dma_wait3A_253] : memref<2x32x1024xf32, #tpu.memory_space<vmem>> -> memref<1x32x1024xf32, #tpu.memory_space<vmem>>
    %dma_wait3A_255 = tpu.memref_squeeze %dma_wait3A_254 : memref<1x32x1024xf32, #tpu.memory_space<vmem>> -> memref<32x1024xf32, #tpu.memory_space<vmem>>
    %dma_wait3A_256 = arith.constant 160 : i32
    %dma_wait3A_257 = tpu.memref_slice %arg8[%dma_wait3A_256] : memref<192xi32, #tpu.memory_space<vmem>> -> memref<32xi32, #tpu.memory_space<vmem>>
    %dma_wait3A_258 = arith.constant 0 : i32
    %dma_wait3A_259 = arith.constant 0 : i32
    %dma_wait3A_260 = tpu.memref_slice %arg4[%dma_wait3A_258, %dma_wait3A_259] : memref<256x1024xf32, #tpu.memory_space<hbm>> -> memref<256x1024xf32, #tpu.memory_space<hbm>>
    tpu.wait_indirect_dma semaphore(%arg11 : memref<!tpu.dma_semaphore, #tpu.memory_space<semaphore_mem>>) src(%dma_wait3A_260 : memref<256x1024xf32, #tpu.memory_space<hbm>>) dst(%dma_wait3A_255 : memref<32x1024xf32, #tpu.memory_space<vmem>>)
    %add3A_261 = arith.constant 160 : i32
    %add3A_262 = arith.addi %mul3A_2, %add3A_261 : i32
    %dma_start3A_263 = arith.constant 1 : i32
    %dma_start3A_264 = arith.constant 0 : i32
    %dma_start3A_265 = arith.constant 0 : i32
    %dma_start3A_266 = tpu.memref_slice %arg9[%dma_start3A_263, %dma_start3A_264, %dma_start3A_265] : memref<2x32x1024xf32, #tpu.memory_space<vmem>> -> memref<1x32x1024xf32, #tpu.memory_space<vmem>>
    %dma_start3A_267 = tpu.memref_squeeze %dma_start3A_266 : memref<1x32x1024xf32, #tpu.memory_space<vmem>> -> memref<32x1024xf32, #tpu.memory_space<vmem>>
    %dma_start3A_268 = arith.constant 0 : i32
    %dma_start3A_269 = tpu.memref_slice %arg5[%add3A_262, %dma_start3A_268] : memref<16384x1024xf32, #tpu.memory_space<hbm>> -> memref<32x1024xf32, #tpu.memory_space<hbm>>
    %dma_start3A_270 = arith.constant 0 : i32
    %dma_start3A_271 = tpu.memref_slice %arg5[%add3A_262, %dma_start3A_270] : memref<16384x1024xf32, #tpu.memory_space<hbm>> -> memref<32x1024xf32, #tpu.memory_space<hbm>>
    %dma_start3A_272 = arith.constant 0 : i32
    %dma_start3A_273 = arith.constant 0 : i32
    %dma_start3A_274 = tpu.memref_slice %arg9[%dma_start3A_263, %dma_start3A_272, %dma_start3A_273] : memref<2x32x1024xf32, #tpu.memory_space<vmem>> -> memref<1x32x1024xf32, #tpu.memory_space<vmem>>
    %dma_start3A_275 = tpu.memref_squeeze %dma_start3A_274 : memref<1x32x1024xf32, #tpu.memory_space<vmem>> -> memref<32x1024xf32, #tpu.memory_space<vmem>>
    tpu.enqueue_dma source(%dma_start3A_275 : memref<32x1024xf32, #tpu.memory_space<vmem>>) target(%dma_start3A_271 : memref<32x1024xf32, #tpu.memory_space<hbm>>) target_semaphore(%arg13 : memref<!tpu.dma_semaphore, #tpu.memory_space<semaphore_mem>>)
    %add3A_276 = arith.constant 128 : i32
    %add3A_277 = arith.addi %mul3A_2, %add3A_276 : i32
    %dma_wait3A_278 = arith.constant 0 : i32
    %dma_wait3A_279 = arith.constant 0 : i32
    %dma_wait3A_280 = arith.constant 0 : i32
    %dma_wait3A_281 = tpu.memref_slice %arg9[%dma_wait3A_278, %dma_wait3A_279, %dma_wait3A_280] : memref<2x32x1024xf32, #tpu.memory_space<vmem>> -> memref<1x32x1024xf32, #tpu.memory_space<vmem>>
    %dma_wait3A_282 = tpu.memref_squeeze %dma_wait3A_281 : memref<1x32x1024xf32, #tpu.memory_space<vmem>> -> memref<32x1024xf32, #tpu.memory_space<vmem>>
    %dma_wait3A_283 = arith.constant 0 : i32
    %dma_wait3A_284 = tpu.memref_slice %arg5[%add3A_277, %dma_wait3A_283] : memref<16384x1024xf32, #tpu.memory_space<hbm>> -> memref<32x1024xf32, #tpu.memory_space<hbm>>
    %dma_wait3A_285 = arith.constant 0 : i32
    %dma_wait3A_286 = tpu.memref_slice %arg5[%add3A_277, %dma_wait3A_285] : memref<16384x1024xf32, #tpu.memory_space<hbm>> -> memref<32x1024xf32, #tpu.memory_space<hbm>>
    %dma_wait3A_287 = arith.constant 0 : i32
    %dma_wait3A_288 = arith.constant 0 : i32
    %dma_wait3A_289 = tpu.memref_slice %arg9[%dma_wait3A_278, %dma_wait3A_287, %dma_wait3A_288] : memref<2x32x1024xf32, #tpu.memory_space<vmem>> -> memref<1x32x1024xf32, #tpu.memory_space<vmem>>
    %dma_wait3A_290 = tpu.memref_squeeze %dma_wait3A_289 : memref<1x32x1024xf32, #tpu.memory_space<vmem>> -> memref<32x1024xf32, #tpu.memory_space<vmem>>
    tpu.wait_dma2 semaphore(%arg12 : memref<!tpu.dma_semaphore, #tpu.memory_space<semaphore_mem>>) src(%dma_wait3A_290 : memref<32x1024xf32, #tpu.memory_space<vmem>>) dst(%dma_wait3A_286 : memref<32x1024xf32, #tpu.memory_space<hbm>>)
    %add3A_291 = arith.constant 160 : i32
    %add3A_292 = arith.addi %mul3A_2, %add3A_291 : i32
    %dma_wait3A_293 = arith.constant 1 : i32
    %dma_wait3A_294 = arith.constant 0 : i32
    %dma_wait3A_295 = arith.constant 0 : i32
    %dma_wait3A_296 = tpu.memref_slice %arg9[%dma_wait3A_293, %dma_wait3A_294, %dma_wait3A_295] : memref<2x32x1024xf32, #tpu.memory_space<vmem>> -> memref<1x32x1024xf32, #tpu.memory_space<vmem>>
    %dma_wait3A_297 = tpu.memref_squeeze %dma_wait3A_296 : memref<1x32x1024xf32, #tpu.memory_space<vmem>> -> memref<32x1024xf32, #tpu.memory_space<vmem>>
    %dma_wait3A_298 = arith.constant 0 : i32
    %dma_wait3A_299 = tpu.memref_slice %arg5[%add3A_292, %dma_wait3A_298] : memref<16384x1024xf32, #tpu.memory_space<hbm>> -> memref<32x1024xf32, #tpu.memory_space<hbm>>
    %dma_wait3A_300 = arith.constant 0 : i32
    %dma_wait3A_301 = tpu.memref_slice %arg5[%add3A_292, %dma_wait3A_300] : memref<16384x1024xf32, #tpu.memory_space<hbm>> -> memref<32x1024xf32, #tpu.memory_space<hbm>>
    %dma_wait3A_302 = arith.constant 0 : i32
    %dma_wait3A_303 = arith.constant 0 : i32
    %dma_wait3A_304 = tpu.memref_slice %arg9[%dma_wait3A_293, %dma_wait3A_302, %dma_wait3A_303] : memref<2x32x1024xf32, #tpu.memory_space<vmem>> -> memref<1x32x1024xf32, #tpu.memory_space<vmem>>
    %dma_wait3A_305 = tpu.memref_squeeze %dma_wait3A_304 : memref<1x32x1024xf32, #tpu.memory_space<vmem>> -> memref<32x1024xf32, #tpu.memory_space<vmem>>
    tpu.wait_dma2 semaphore(%arg13 : memref<!tpu.dma_semaphore, #tpu.memory_space<semaphore_mem>>) src(%dma_wait3A_305 : memref<32x1024xf32, #tpu.memory_space<vmem>>) dst(%dma_wait3A_301 : memref<32x1024xf32, #tpu.memory_space<hbm>>)
    return
  }
}

module attributes {stable_mosaic.version = 14 : i64} {
  func.func @body(%arg0: i32, %arg1: memref<8x2048xf32, #tpu.memory_space<vmem>>, %arg2: memref<256x2xf32, #tpu.memory_space<vmem>>, %arg3: memref<256x3072xbf16, #tpu.memory_space<vmem>>, %arg4: memref<16384x1024xf32, #tpu.memory_space<any>>, %arg5: memref<2048x1024xf32, #tpu.memory_space<vmem>>) attributes {dimension_semantics = [#tpu.dimension_semantics<arbitrary>], iteration_bounds = array<i64: 5>, scalar_prefetch = 0 : i64, scratch_operands = 0 : i64, tpu.core_type = #tpu.core_type<tc>, window_params = [{pipeline_mode = #tpu.pipeline_mode<synchronous>, transform_indices = @transform_0, window_bounds = array<i64: 8, 2048>}, {pipeline_mode = #tpu.pipeline_mode<synchronous>, transform_indices = @transform_1, window_bounds = array<i64: 256, 2>}, {pipeline_mode = #tpu.pipeline_mode<synchronous>, transform_indices = @transform_2, window_bounds = array<i64: 256, 3072>}, {}, {transform_indices = @transform_4, window_bounds = array<i64: 2048, 1024>}]} {
    %add3A = arith.constant 3 : i32
    %add3A_0 = arith.addi %add3A, %arg0 : i32
    %get3A = arith.index_cast %add3A_0 : i32 to index
    %get3A_1 = arith.constant 0 : index
    %get3A_2 = vector.load %arg1[%get3A, %get3A_1] : memref<8x2048xf32, #tpu.memory_space<vmem>>, vector<1x2048xf32>
    %get3A_3 = arith.constant 0 : index
    %get3A_4 = arith.constant 0 : index
    %get3A_5 = vector.load %arg2[%get3A_3, %get3A_4] : memref<256x2xf32, #tpu.memory_space<vmem>>, vector<256x1xf32>
    %get3A_6 = arith.constant 0 : index
    %get3A_7 = arith.constant 1 : index
    %get3A_8 = vector.load %arg2[%get3A_6, %get3A_7] : memref<256x2xf32, #tpu.memory_space<vmem>>, vector<256x1xf32>
    %ge3A = vector.broadcast %get3A_2 : vector<1x2048xf32> to vector<256x2048xf32>
    %ge3A_9 = vector.broadcast %get3A_5 : vector<256x1xf32> to vector<256x2048xf32>
    %ge3A_10 = arith.cmpf oge, %ge3A, %ge3A_9 : vector<256x2048xf32>
    %lt3A = vector.broadcast %get3A_2 : vector<1x2048xf32> to vector<256x2048xf32>
    %lt3A_11 = vector.broadcast %get3A_8 : vector<256x1xf32> to vector<256x2048xf32>
    %lt3A_12 = arith.cmpf olt, %lt3A, %lt3A_11 : vector<256x2048xf32>
    %and3A = arith.andi %ge3A_10, %lt3A_12 : vector<256x2048xi1>
    %convert_element_type3A = arith.extui %and3A : vector<256x2048xi1> to vector<256x2048xi32>
    %convert_element_type3A_13 = arith.sitofp %convert_element_type3A : vector<256x2048xi32> to vector<256x2048xf32>
    %convert_element_type3A_14 = arith.truncf %convert_element_type3A_13 : vector<256x2048xf32> to vector<256x2048xbf16>
    %get3A_15 = arith.constant 0 : index
    %get3A_16 = arith.constant 0 : index
    %get3A_17 = vector.load %arg3[%get3A_15, %get3A_16] : memref<256x3072xbf16, #tpu.memory_space<vmem>>, vector<256x1024xbf16>
    %dot_general3A = arith.constant dense<0.000000e+00> : vector<2048x1024xf32>
    %dot_general3A_18 = tpu.matmul %convert_element_type3A_14, %get3A_17, %dot_general3A {dimension_numbers = #tpu.dot_dimension_numbers<[0], [0], [1], [1], [0, 1, 1, 1], [], []>, transpose_lhs_hint = false} : vector<256x2048xbf16>, vector<256x1024xbf16>, vector<2048x1024xf32> -> vector<2048x1024xf32>
    %get3A_19 = arith.constant 0 : index
    %get3A_20 = arith.constant 1024 : index
    %get3A_21 = vector.load %arg3[%get3A_19, %get3A_20] : memref<256x3072xbf16, #tpu.memory_space<vmem>>, vector<256x1024xbf16>
    %dot_general3A_22 = arith.constant dense<0.000000e+00> : vector<2048x1024xf32>
    %dot_general3A_23 = tpu.matmul %convert_element_type3A_14, %get3A_21, %dot_general3A_22 {dimension_numbers = #tpu.dot_dimension_numbers<[0], [0], [1], [1], [0, 1, 1, 1], [], []>, transpose_lhs_hint = false} : vector<256x2048xbf16>, vector<256x1024xbf16>, vector<2048x1024xf32> -> vector<2048x1024xf32>
    %add3A_24 = arith.addf %dot_general3A_18, %dot_general3A_23 : vector<2048x1024xf32>
    %get3A_25 = arith.constant 0 : index
    %get3A_26 = arith.constant 2048 : index
    %get3A_27 = vector.load %arg3[%get3A_25, %get3A_26] : memref<256x3072xbf16, #tpu.memory_space<vmem>>, vector<256x1024xbf16>
    %dot_general3A_28 = arith.constant dense<0.000000e+00> : vector<2048x1024xf32>
    %dot_general3A_29 = tpu.matmul %convert_element_type3A_14, %get3A_27, %dot_general3A_28 {dimension_numbers = #tpu.dot_dimension_numbers<[0], [0], [1], [1], [0, 1, 1, 1], [], []>, transpose_lhs_hint = false} : vector<256x2048xbf16>, vector<256x1024xbf16>, vector<2048x1024xf32> -> vector<2048x1024xf32>
    %add3A_30 = arith.addf %add3A_24, %dot_general3A_29 : vector<2048x1024xf32>
    %swap3A = arith.constant 0 : index
    %swap3A_31 = arith.constant 0 : index
    %swap3A_32 = vector.load %arg5[%swap3A, %swap3A_31] : memref<2048x1024xf32, #tpu.memory_space<vmem>>, vector<2048x1024xf32>
    tpu.vector_store %arg5[%swap3A, %swap3A_31], %add3A_30 {strides = array<i32>} : memref<2048x1024xf32, #tpu.memory_space<vmem>>, vector<2048x1024xf32>,
    return
  }
  func.func @transform_0(%arg0: i32) -> (i32, i32) {
    %c0_i32 = arith.constant 0 : i32
    %c0_i32_0 = arith.constant 0 : i32
    %c0_i32_1 = arith.constant 0 : i32
    return %c0_i32, %c0_i32_0 : i32, i32
  }
  func.func @transform_1(%arg0: i32) -> (i32, i32) {
    %c0_i32 = arith.constant 0 : i32
    %c0_i32_0 = arith.constant 0 : i32
    %c0_i32_1 = arith.constant 0 : i32
    return %c0_i32, %c0_i32_0 : i32, i32
  }
  func.func @transform_2(%arg0: i32) -> (i32, i32) {
    %c0_i32 = arith.constant 0 : i32
    %c0_i32_0 = arith.constant 0 : i32
    %c0_i32_1 = arith.constant 0 : i32
    return %c0_i32, %c0_i32_0 : i32, i32
  }
  func.func @transform_4(%arg0: i32) -> (i32, i32) {
    %add3A = arith.constant 3 : i32
    %add3A_0 = arith.addi %arg0, %add3A : i32
    %c0_i32 = arith.constant 0 : i32
    %c0_i32_1 = arith.constant 0 : i32
    return %add3A_0, %c0_i32 : i32, i32
  }
}

</mosaic_0001>

<sc_bundles>
// kernel: kernel.4.cloned.1.call-start
scs
__scs_entry_jumppad:
0x0: {  	(pc) =	sbr.rel $0x88, $3  }
0x1: {  	(tag) =	ssettag $0x0;
	lr =	simm.s32 $0x1  }
0x2: {  	[smem:$0x3F9E] =	sst lr;
	_ =	strace $0xD0000000  }
0x3: {  	_ = 	snop  }
0x4: {  	_ = 	snop  }
0x5: {  	_ = 	snop  }
0x6: {  	_ = 	snop  }
0x7: {  	_ = 	snop  }
__scs_overlays_trampoline_lowered:
0x8: {  	[smem:$0x3FAD] =	sst s0  }
0x9: {  	[smem:$0x3FAE] =	sst s1  }
0xa: {  	[smem:$0x3FAF] =	sst s2  }
0xb: {  	[smem:$0x3FB0] =	sst s3  }
0xc: {  	[smem:$0x3FB1] =	sst s4  }
0xd: {  	[smem:$0x3FB2] =	sst s5  }
0xe: {  	[smem:$0x3FB3] =	sst s6  }
0xf: {  	[smem:$0x3FB4] =	sst s7  }
0x10: {  	[smem:$0x3FB5] =	sst s8  }
0x11: {  	[smem:$0x3FB6] =	sst s9;
	s0 =	simm.s32 @!p0 $0x0  }
0x12: {  	s1 =	sld [smem:$0x3F9C];
	s0 =	simm.s32 @p0 $0x1  }
0x13: {  	[smem:$0x3FB7] =	sst s0;
	s0 =	simm.s32 @!p1 $0x0  }
0x14: {  	s2 =	sld [smem:$0x3F9B];
	s0 =	simm.s32 @p1 $0x1  }
0x15: {  	[smem:$0x3FB8] =	sst s0;
	s0 =	simm.s32 @!p2 $0x0  }
0x16: {  	s3 =	sld [smem:$0x3FDB];
	s0 =	simm.s32 @p2 $0x1  }
0x17: {  	s4 =	simm.s32 $0x1BF5;
	[smem:$0x3FBA] =	sst s0  }
0x18: {  	s0 =	sld [smem:$0x3F9D];
	_ =	swait.ge [sflag:s4], $0x0  }
0x19: {  	s7 =	sld [smem:$0x3F9E]  }
0x1a: {  	s8 =	sadd.s32 $0xFFFFE003, lr  }
0x1b: {  	s9 =	sadd.s32 $0xFFFFFEF7, lr;
	s5 =	simm.s32 $0xFFFFFFFF;
	p2 =	slt.u32 s8, $0xFFFFF086  }
0x1c: {  	p1 =	slt.u32 s9, $0xF7A;
	s5 =	simm.s32 @!p2 $0x0  }
0x1d: {  	s5 =	simm.s32 @p1 $0x1;
	p0 =	seq.s32 s7, s2  }
0x1e: {  	s7 =	smul.u32 @!p0 $0xF7A, s2;
	p2 =	seq.s32 @!p0 s5, $0x0  }
0x1f: {  	s9 =	smul.u32 $0xF7A, s1;
	s8 =	simm.s32 @!p0 $0x1BF5;
	p2 =	por !p2, p0  }
0x20: {  	[sflag:s8] =	ssyncset.s32 @!p0 $0xFFFFF086;
	s6 =	sadd.s32 @!p0 s3, s7;
	s7 =	simm.s32 @!p0 $0x108  }
0x21: {  	s3 =	sadd.s32 s3, s9;
	s6 =	sadd.s32 @!p0 $0x88, s6;
	s7 =	simm.s32 @p2 $0x1082  }
0x22: {  	[simem:s7], [sflag:s8] =	dma.local @!p0 [hbm:s6], $0xF7A  }
0x23: {  	s9 =	sor.u32 $0xD0000000, s2;
	s6 =	simm.s32 $0x108;
	_ =	swait.ge @!p0 [sflag:s8], $0x0  }
0x24: {  	s3 =	sadd.s32 $0x88, s3;
	s6 =	simm.s32 @!p1 $0x1082;
	[sflag:s4] =	ssyncset.s32 $0xFFFFF086  }
0x25: {  	[simem:s6], [sflag:s4] =	dma.local [hbm:s3], $0xF7A  }
0x26: {  	[smem:$0x3F9E] =	sst s1;
	(tag) =	ssettag s2;
	_ =	strace s9  }
0x27: {  	s1 =	sld [smem:$0x3FAE]  }
0x28: {  	s2 =	sld [smem:$0x3FAF]  }
0x29: {  	s4 =	sld [smem:$0x3FB1]  }
0x2a: {  	p0 =	seq.s32 s5, $0x0;
	s5 =	sld [smem:$0x3FB2]  }
0x2b: {  	s6 =	sld [smem:$0x3FB3]  }
0x2c: {  	s7 =	sld [smem:$0x3FB4]  }
0x2d: {  	s3 =	simm.s32 $0x108;
	s8 =	sld [smem:$0x3FB5]  }
0x2e: {  	s3 =	simm.s32 @!p0 $0x1082;
	s9 =	sld [smem:$0x3FB6]  }
0x2f: {  	lr =	sadd.s32 s0, s3;
	s0 =	sld [smem:$0x3FAD]  }
0x30: {  	s3 =	sld [smem:$0x3FB0]  }
0x31: {  	[smem:$0x3FB9] =	sst s10  }
0x32: {  	s10 =	sld [smem:$0x3FB7];
	_ =	sdelay $0x3  }
0x33: {  	p0 =	seq.s32 s10, $0x1;
	s10 =	sld [smem:$0x3FB9];
	_ =	sdelay $0x3  }
0x34: {  	[smem:$0x3FB9] =	sst s10  }
0x35: {  	s10 =	sld [smem:$0x3FB8];
	_ =	sdelay $0x3  }
0x36: {  	p1 =	seq.s32 s10, $0x1;
	s10 =	sld [smem:$0x3FB9];
	_ =	sdelay $0x3  }
0x37: {  	[smem:$0x3FB9] =	sst s10  }
0x38: {  	s10 =	sld [smem:$0x3FBA]  }
0x39: {  	_ = 	snop;
	(pc) =	sbr.ind lr, $3  }
0x3a: {  	_ = 	snop  }
0x3b: {  	_ = 	snop  }
0x3c: {  	p2 =	seq.s32 s10, $0x1;
	s10 =	sld [smem:$0x3FB9]  }
0x3d: {  	_ =	shalt  }
0x3e: {  	_ =	shalt  }
0x3f: {  	_ =	shalt  }
0x40: {  	_ =	shalt  }
0x41: {  	_ =	shalt  }
0x42: {  	_ =	shalt  }
0x43: {  	_ =	shalt  }
0x44: {  	_ =	shalt  }
0x45: {  	_ =	shalt  }
0x46: {  	_ =	shalt  }
0x47: {  	_ =	shalt  }
0x48: {  	_ =	shalt  }
0x49: {  	_ =	shalt  }
0x4a: {  	_ =	shalt  }
0x4b: {  	_ =	shalt  }
0x4c: {  	_ =	shalt  }
0x4d: {  	_ =	shalt  }
0x4e: {  	_ =	shalt  }
0x4f: {  	_ =	shalt  }
0x50: {  	_ =	shalt  }
0x51: {  	_ =	shalt  }
0x52: {  	_ =	shalt  }
0x53: {  	_ =	shalt  }
0x54: {  	_ =	shalt  }
0x55: {  	_ =	shalt  }
0x56: {  	_ =	shalt  }
0x57: {  	_ =	shalt  }
0x58: {  	_ =	shalt  }
0x59: {  	_ =	shalt  }
0x5a: {  	_ =	shalt  }
0x5b: {  	_ =	shalt  }
0x5c: {  	_ =	shalt  }
0x5d: {  	_ =	shalt  }
0x5e: {  	_ =	shalt  }
0x5f: {  	_ =	shalt  }
0x60: {  	_ =	shalt  }
0x61: {  	_ =	shalt  }
0x62: {  	_ =	shalt  }
0x63: {  	_ =	shalt  }
0x64: {  	_ =	shalt  }
0x65: {  	_ =	shalt  }
0x66: {  	_ =	shalt  }
0x67: {  	_ =	shalt  }
0x68: {  	_ =	shalt  }
0x69: {  	_ =	shalt  }
0x6a: {  	_ =	shalt  }
0x6b: {  	_ =	shalt  }
0x6c: {  	_ =	shalt  }
0x6d: {  	_ =	shalt  }
0x6e: {  	_ =	shalt  }
0x6f: {  	_ =	shalt  }
0x70: {  	_ =	shalt  }
0x71: {  	_ =	shalt  }
0x72: {  	_ =	shalt  }
0x73: {  	_ =	shalt  }
0x74: {  	_ =	shalt  }
0x75: {  	_ =	shalt  }
0x76: {  	_ =	shalt  }
0x77: {  	_ =	shalt  }
0x78: {  	_ =	shalt  }
0x79: {  	_ =	shalt  }
0x7a: {  	_ =	shalt  }
0x7b: {  	_ =	shalt  }
0x7c: {  	_ =	shalt  }
0x7d: {  	_ =	shalt  }
0x7e: {  	_ =	shalt  }
0x7f: {  	_ =	shalt  }
0x80: {  	_ =	shalt  }
0x81: {  	_ =	shalt  }
0x82: {  	_ =	shalt  }
0x83: {  	_ =	shalt  }
0x84: {  	_ =	shalt  }
0x85: {  	_ =	shalt  }
0x86: {  	_ =	shalt  }
0x87: {  	_ =	shalt  }
.Lfunc_end0:
.L_simem_size_0:
called_computation_lowered:
.L_overlay_start_0:
0x88: {  	s2 =	sld [smem:$0x3FD9]  }
0x89: {  	s3 =	sld [smem:$0x3FFE];
	_ =	sdelay $0x1  }
0x8a: {  	s1 =	srdreg.scid  }
0x8b: {  	s0 =	sand.u32 $0x1, s1  }
0x8c: {  	s17 =	sshll.u32 s0, $0xA;
	s2 =	sadd.s32 s3, s2  }
0x8d: {  	s2 =	sadd.s32 s2, s17  }
0x8e: {  	[smem:$0x3FC5] =	sst s2  }
0x8f: {  	_ = 	snop  }
0x90: {  	s2 =	sld [smem:$0x3FC9]  }
0x91: {  	s18 =	sld [smem:$0x3FC7]  }
0x92: {  	s4 =	sld [smem:$0x3FD0];
	(tm) =	ssettm $0x1  }
0x93: {  	s5 =	sld [smem:$0x3FFB];
	_ =	sdelay $0x3  }
0x94: {  	_ =	strace s5  }
0x95: {  	s5 =	sld [smem:$0x3FFC];
	_ =	sdelay $0x3  }
0x96: {  	_ =	strace s5  }
0x97: {  	s5 =	sld [smem:$0x3FFD];
	_ =	sdelay $0x3  }
0x98: {  	_ =	strace s5  }
0x99: {  	_ =	strace $0x8FFFFFFF  }
0x9a: {  	s19 =	sld [smem:$0x3FDB];
	_ =	sdelay $0x1  }
0x9b: {  	s6 =	simm.s32 $_scs_section_size  }
0x9c: {  	s7 =	simm.s32 $_size__tile_overlayer_lowered;
	s8 =	simm.s32 $_tile_overlayer_lowered  }
0x9d: {  	s22 =	simm.s32 $0x1BFF;
	s21 =	sshll.u32 s8, $0x1;
	s5 =	sadd.s32 s6, s19  }
0x9e: {  	s9 =	simm.s32 $0x0;
	s20 =	sshll.u32 s7, $0x1;
	s7 =	sadd.s32 s21, s5  }
0x9f: {  	[timem:s9], [sflag:s22] =	dma.local [hbm:s7], s20  }
0xa0: {  	_ =	swait.ge [sflag:s22], s20  }
0xa1: {  	s6 =	ssub.s32 $0x0, s20;
	[sflag:s22] =	ssyncset.done $0x0  }
0xa2: {  	[sflag:s22] =	ssyncadd.s32 s6;
	_ =	sdelay $0x1  }
0xa3: {  	s23 =	simm.s32 $0x1B8B  }
0xa4: {  	_ =	swait.ge [sflag:s23], $0x1  }
0xa5: {  	[sflag:s23] =	ssyncset.done $0x0  }
0xa6: {  	s25 =	simm.s32 $0x1B8E;
	s24 =	sld [smem:$0x3FFE];
	[sflag:s23] =	ssyncadd.s32 $0xFFFFFFFF  }
0xa7: {  	s26 =	simm.s32 $execute0_lowered;
	[smem:$0x3FD2] =	sst s25  }
0xa8: {  	s7 =	sshll.u32 s26, $0x1;
	_ =	strace $0x80000046;
	[dreg:$0x1] =	wrdreg $0xFFFFFFFF  }
0xa9: {  	s28 =	simm.s32 $_size_execute0_lowered;
	s5 =	sadd.s32 s5, s7;
	[dreg:$0x0] =	wrdreg $0x0  }
0xaa: {  	s7 =	sshll.u32 s28, $0x1;
	[dreg:$0x2] =	wrdreg s5  }
0xab: {  	[dreg:$0x3] =	wrdreg s7  }
0xac: {  	[dreg:$0x4] =	wrdreg $0xC0  }
0xad: {  	_ =	task [dreg:s9], $0x5FFFF  }
0xae: {  	[dreg:$0x1] =	wrdreg $0xFFFFFFFF  }
0xaf: {  	[dreg:$0x0] =	wrdreg $0x60  }
0xb0: {  	[dreg:$0x2] =	wrdreg s2  }
0xb1: {  	[dreg:$0x3] =	wrdreg s24  }
0xb2: {  	[dreg:$0x4] =	wrdreg s18  }
0xb3: {  	[dreg:$0x5] =	wrdreg s4  }
0xb4: {  	[dreg:$0x6] =	wrdreg $0x9  }
0xb5: {  	_ =	task.clear_ibuf [dreg:s9], $0x7FFFF;
	_ =	strace $0x90000046  }
0xb6: {  	s29 =	simm.s32 $0x9;
	_ =	strace $0x80000048  }
0xb7: {  	_ =	swait.ge [sflag:s29], $0x1  }
0xb8: {  	[sflag:s29] =	ssyncadd.s32 $0xFFFFFFFF  }
0xb9: {  	_ =	strace $0x90000048  }
0xba: {  	_ =	sfence  }
0xbb: {  	s30 =	sld [smem:$0x0];
	_ =	sdelay $0x2  }
0xbc: {  	s31 =	sshll.u32 s1, $0xD;
	s1 =	sshrl.u32 s1, $0x2  }
0xbd: {  	s3 =	sand.u32 $0x4000, s31;
	s1 =	sadd.s32 s1, s30  }
0xbe: {  	s0 =	sor.u32 s3, s0;
	s1 =	sshll.u32 s1, $0x11  }
0xbf: {  	s0 =	sor.u32 s1, s0  }
0xc0: {  	s0 =	sadd.s32 $0x8F2B, s0  }
0xc1: {  	[sflag:s0] =	ssyncadd.remote.s32 $0x1  }
0xc2: {  	_ =	sfence.sel $0xFFFF  }
0xc3: {  	[dreg:$0x0] =	wrdreg $0xFFFFFFFF;
	(pc) =	sbr.abs _section_cstart, $3  }
0xc4: {  	[dreg:$0x1] =	wrdreg $0xFFFFFFFF  }
0xc5: {  	_ =	task.clear_ibuf [dreg:s9], $0x2FFFF;
	_ =	strace $0x9FFFFFFF  }
0xc6: {  	(tm) =	ssettm $0x7FFFFFFF  }
0xc7: {  	_ =	shalt  }
tec
execute0_lowered:
.L_overlay_start_1:
0x0: {  	(tag) =	ssettag $0x1  }
0x1: {  	s0 =	rddreg [dreg:$0x0]  }
0x2: {  	s1 =	rddreg [dreg:$0x1]  }
0x3: {  	s2 =	rddreg [dreg:$0x2]  }
0x4: {  	s4 =	rddreg [dreg:$0x3]  }
0x5: {  	s5 =	srdreg.scid;
	s6 =	stileid.u32;
	s3 =	simm.s32 $0x0  }
0x6: {  	s28 =	simm.s32 $0x2;
	s29 =	simm.s32 $0x3;
	s30 =	simm.s32 $0x4  }
0x7: {  	s31 =	simm.s32 $0x0;
	s16 =	simm.s32 $0xB00;
	s17 =	simm.s32 $0x1300  }
0x8: {  	s10 =	simm.s32 $0x1B00;
	s11 =	simm.s32 $0x2300;
	s12 =	simm.s32 $0x2B00  }
0x9: {  	s13 =	simm.s32 $0x3300;
	s5 =	sand.u32 $0x1, s5;
	s6 =	sshll.u32 s6, $0x1  }
0xa: {  	s14 =	simm.s32 $0x3B00;
	s15 =	simm.s32 $0x4300;
	s6 =	sor.u32 s5, s6  }
0xb: {  	[smem:$0x7FF] =	sst s3;
	s1 =	sadd.s32 $0xA00, s1;
	s7 =	smul.u32 $0x18, s6  }
0xc: {  	_ =	strace $0x80000047;
	s5 =	ssub.s32 $0x2, s5;
	s8 =	smul.u32 $0x30000, s6  }
0xd: {  	[dreg:$0x5] =	wrdreg s1;
	s18 =	sshrl.u32 s5, $0x1;
	s19 =	smul.u32 $0x6000, s6  }
0xe: {  	s6 =	sadd.s32 $0x100, s2;
	s1 =	ssub.s32 s5, s18;
	s5 =	simm.s32 $0x300  }
0xf: {  	s18 =	simm.s32 $0xA300;
	s0 =	sadd.s32 s0, s7;
	s7 =	sadd.s32 $0x200, s2  }
0x10: {  	s20 =	sshrl.u32 s8, $0x3;
	s9 =	sadd.s32 s4, s19;
	[dreg:$0x6] =	wrdreg s0  }
0x11: {  	s8 =	sadd.s32 $0x300, s2;
	s26 =	smax.u32 s1, $0x1;
	[dreg:$0x7] =	wrdreg s9  }
0x12: {  	s21 =	sadd.s32 s4, s20;
	s22 =	sadd.s32 $0x1000, s9;
	[dreg:$0xd] =	wrdreg s26  }
0x13: {  	s19 =	simm.s32 $0x5300;
	[dreg:$0x8] =	wrdreg s22;
	s23 =	sadd.s32 $0x2000, s21  }
0x14: {  	v0 =	vimm.s32 $0x7F;
	s4 =	simm.s32 $0x1;
	s24 =	sadd.s32 $0x3000, s21;
	[dreg:$0x9] =	wrdreg s23  }
0x15: {  	s20 =	simm.s32 $0x5B00;
	s25 =	sadd.s32 $0x4000, s21;
	[dreg:$0xa] =	wrdreg s24  }
0x16: {  	v4 =	vlaneseq.u32;
	s26 =	simm.s32 $0x9300;
	s0 =	sadd.s32 $0x5000, s21;
	[dreg:$0xb] =	wrdreg s25  }
0x17: {  	v1 =	vimm.s32 $0x0;
	vm0 =	vmmov $0xffff;
	v3 =	vshrl.u32 v4, $0x3;
	s21 =	simm.s32 $0x6300;
	s22 =	simm.s32 $0x6B00;
	[dreg:$0xc] =	wrdreg s0  }
0x18: {  	v2 =	vand.u32 $0x7, v4;
	v4 =	vor.u32 $0x8, v4;
	v3 =	vmul.u32 $0x8, v3;
	s23 =	simm.s32 $0x7300;
	s24 =	simm.s32 $0x7B00;
	s25 =	simm.s32 $0x8B00  }
.LBB2_1:
0x19: {  	s0 =	rddreg [dreg:$0x5];
	s9 =	simm.s32 $0x5  }
0x1a: {  	[tilespmem:s3], [sflag:$0x5] =	stream.linear.gather [hbm4b:s0+s3], $0x100, $0x38;
	[tilespmem:$0x10300] =	vst v63  }
0x1b: {  	_ =	swait.ge [sflag:s9], $0x100  }
0x1c: {  	[sflag:s9] =	ssyncset.done $0x0  }
0x1d: {  	s1 =	simm.s32 $0x100;
	s0 =	rddreg [dreg:$0x6];
	[sflag:s9] =	ssyncadd.s32 $0xFFFFFF00  }
0x1e: {  	[tilespmem:s1], [sflag:$0x5] =	stream.linear.gather [hbm4b:s0+s3], $0xC0, $0x38;
	[tilespmem:$0x10300] =	vst v63  }
0x1f: {  	_ =	swait.ge [sflag:s9], $0xC0  }
0x20: {  	[sflag:s9] =	ssyncset.done $0x0  }
0x21: {  	s0 =	simm.s32 $0x0;
	[sflag:s9] =	ssyncadd.s32 $0xFFFFFF40  }
.LBB2_2:
0x22: {  	s1 =	sshra.s32 s0, $0x2;
	v6 =	vld.idx.msk [tilespmem:v0+s3+$0x0], $0xffff  }
0x23: {  	v5 =	vld [tilespmem:s1+$0x100];
	_ =	sdelay $0x4  }
0x24: {  	vm1 =	vle.f32 v6, v5  }
0x25: {  	v6 =	vsel vm1, $0x80, v1  }
0x26: {  	v7 =	vor.u32 $0x3F, v6;
	_ =	sdelay $0x4  }
0x27: {  	v7 =	vld.idx.msk [tilespmem:v7+s3+$0x0], $0xffff;
	_ =	sdelay $0x4  }
0x28: {  	v8 =	vor.u32 $0x40, v6;
	vm1 =	vle.f32 v7, v5  }
0x29: {  	v7 =	vsel vm1, v8, v6  }
0x2a: {  	v8 =	vand.u32 $0x40, v7  }
0x2b: {  	v6 =	vor.u32 v8, v6  }
0x2c: {  	v6 =	vor.u32 $0x1F, v6;
	_ =	sdelay $0x4  }
0x2d: {  	v6 =	vld.idx.msk [tilespmem:v6+s3+$0x0], $0xffff;
	_ =	sdelay $0x4  }
0x2e: {  	v63 =	vor.u32 $0x20, v7;
	vm1 =	vle.f32 v6, v5  }
0x2f: {  	v6 =	vsel vm1, v63, v7  }
0x30: {  	v7 =	vor.u32 $0xF, v6;
	_ =	sdelay $0x4  }
0x31: {  	v7 =	vld.idx.msk [tilespmem:v7+s3+$0x0], $0xffff;
	_ =	sdelay $0x4  }
0x32: {  	v8 =	vor.u32 $0x10, v6;
	vm1 =	vle.f32 v7, v5  }
0x33: {  	v6 =	vsel vm1, v8, v6  }
0x34: {  	v7 =	vadd.s32 $0x7, v6;
	_ =	sdelay $0x4  }
0x35: {  	v7 =	vld.idx.msk [tilespmem:v7+s3+$0x0], $0xffff;
	_ =	sdelay $0x4  }
0x36: {  	v8 =	vadd.s32 $0x8, v6;
	vm1 =	vle.f32 v7, v5  }
0x37: {  	v6 =	vsel vm1, v8, v6  }
0x38: {  	v7 =	vadd.s32 $0x3, v6;
	_ =	sdelay $0x4  }
0x39: {  	v7 =	vld.idx.msk [tilespmem:v7+s3+$0x0], $0xffff;
	_ =	sdelay $0x4  }
0x3a: {  	v8 =	vadd.s32 $0x4, v6;
	vm1 =	vle.f32 v7, v5  }
0x3b: {  	v6 =	vsel vm1, v8, v6  }
0x3c: {  	v7 =	vadd.s32 $0x1, v6;
	_ =	sdelay $0x4  }
0x3d: {  	v7 =	vld.idx.msk [tilespmem:v7+s3+$0x0], $0xffff;
	_ =	sdelay $0x4  }
0x3e: {  	v8 =	vadd.s32 $0x2, v6;
	vm1 =	vle.f32 v7, v5  }
0x3f: {  	v6 =	vsel vm1, v8, v6;
	_ =	sdelay $0x4  }
0x40: {  	v7 =	vld.idx.msk [tilespmem:v6+s3+$0x0], $0xffff;
	_ =	sdelay $0x2  }
0x41: {  	p0 =	sne.s32 s0, $0x2C0  }
.Ltmp0:
0x42: {  	_ = 	snop;
	(pc) =	sbr.rel @p0 .LBB2_2-.Ltmp0, $4  }
0x43: {  	vm1 =	vle.f32 v7, v5  }
0x44: {  	v5 =	vsel vm1, $0x1, v1  }
0x45: {  	v5 =	vadd.s32 v5, v6  }
0x46: {  	s0 =	sadd.s32 $0x40, s0;
	[tilespmem:s1+$0x200] =	vst v5  }
0x47: {  	v5 =	vld [tilespmem:$0x200];
	_ =	sdelay $0x4  }
0x48: {  	v6 =	vshll.u32 v5, $0x3  }
0x49: {  	v5 =	vand.u32 $0x7, v5;
	v6 =	vand.u32 $0xFFFFFFC0, v6  }
0x4a: {  	v5 =	vor.u32 v5, v6  }
0x4b: {  	v6 =	vperm.xlane v5, v2;
	_ =	sdelay $0x1  }
0x4c: {  	v6 =	vadd.s32 v3, v6;
	_ =	sdelay $0x4  }
0x4d: {  	[tilespmem:s5], [sflag:$0x1] =	stream.indirect_vreg.gather [hbm4b:s2+s3], $0x80, v6, vm0, $0xb8;
	[tilespmem:$0x10300] =	vst v63  }
0x4e: {  	v5 =	vperm.xlane v5, v4  }
0x4f: {  	[tilespmem:s16], [sflag:$0x1] =	stream.indirect_vreg.gather [hbm4b:s6+s3], $0x80, v6, vm0, $0xb8;
	[tilespmem:$0x10300] =	vst v63  }
0x50: {  	v5 =	vadd.s32 v3, v5  }
0x51: {  	[tilespmem:s17], [sflag:$0x1] =	stream.indirect_vreg.gather [hbm4b:s7+s3], $0x80, v6, vm0, $0xb8;
	[tilespmem:$0x10300] =	vst v63  }
0x52: {  	_ = 	snop  }
0x53: {  	[tilespmem:s10], [sflag:$0x1] =	stream.indirect_vreg.gather [hbm4b:s8+s3], $0x80, v6, vm0, $0xb8;
	[tilespmem:$0x10300] =	vst v63  }
0x54: {  	_ = 	snop  }
0x55: {  	[tilespmem:s11], [sflag:$0x1] =	stream.indirect_vreg.gather [hbm4b:s2+s3], $0x80, v5, vm0, $0xb8;
	[tilespmem:$0x10300] =	vst v63  }
0x56: {  	_ = 	snop  }
0x57: {  	[tilespmem:s12], [sflag:$0x1] =	stream.indirect_vreg.gather [hbm4b:s6+s3], $0x80, v5, vm0, $0xb8;
	[tilespmem:$0x10300] =	vst v63  }
0x58: {  	_ = 	snop  }
0x59: {  	[tilespmem:s13], [sflag:$0x1] =	stream.indirect_vreg.gather [hbm4b:s7+s3], $0x80, v5, vm0, $0xb8;
	[tilespmem:$0x10300] =	vst v63  }
0x5a: {  	_ = 	snop  }
0x5b: {  	[tilespmem:s14], [sflag:$0x1] =	stream.indirect_vreg.gather [hbm4b:s8+s3], $0x80, v5, vm0, $0xb8;
	[tilespmem:$0x10300] =	vst v63  }
0x5c: {  	v5 =	vld [tilespmem:$0x210];
	_ =	sdelay $0x4  }
0x5d: {  	v6 =	vshll.u32 v5, $0x3  }
0x5e: {  	v5 =	vand.u32 $0x7, v5;
	v6 =	vand.u32 $0xFFFFFFC0, v6  }
0x5f: {  	v5 =	vor.u32 v5, v6  }
0x60: {  	v6 =	vperm.xlane v5, v2;
	_ =	sdelay $0x1  }
0x61: {  	v6 =	vadd.s32 v3, v6;
	_ =	sdelay $0x4  }
0x62: {  	[tilespmem:s15], [sflag:$0x1] =	stream.indirect_vreg.gather [hbm4b:s2+s3], $0x80, v6, vm0, $0xb8;
	[tilespmem:$0x10300] =	vst v63  }
0x63: {  	s9 =	simm.s32 $0x4B00;
	v5 =	vperm.xlane v5, v4  }
0x64: {  	[tilespmem:s9], [sflag:$0x1] =	stream.indirect_vreg.gather [hbm4b:s6+s3], $0x80, v6, vm0, $0xb8;
	[tilespmem:$0x10300] =	vst v63  }
0x65: {  	v5 =	vadd.s32 v3, v5  }
0x66: {  	[tilespmem:s19], [sflag:$0x1] =	stream.indirect_vreg.gather [hbm4b:s7+s3], $0x80, v6, vm0, $0xb8;
	[tilespmem:$0x10300] =	vst v63  }
0x67: {  	_ = 	snop  }
0x68: {  	[tilespmem:s20], [sflag:$0x1] =	stream.indirect_vreg.gather [hbm4b:s8+s3], $0x80, v6, vm0, $0xb8;
	[tilespmem:$0x10300] =	vst v63  }
0x69: {  	_ = 	snop  }
0x6a: {  	[tilespmem:s21], [sflag:$0x1] =	stream.indirect_vreg.gather [hbm4b:s2+s3], $0x80, v5, vm0, $0xb8;
	[tilespmem:$0x10300] =	vst v63  }
0x6b: {  	_ = 	snop  }
0x6c: {  	[tilespmem:s22], [sflag:$0x1] =	stream.indirect_vreg.gather [hbm4b:s6+s3], $0x80, v5, vm0, $0xb8;
	[tilespmem:$0x10300] =	vst v63  }
0x6d: {  	_ = 	snop  }
0x6e: {  	[tilespmem:s23], [sflag:$0x1] =	stream.indirect_vreg.gather [hbm4b:s7+s3], $0x80, v5, vm0, $0xb8;
	[tilespmem:$0x10300] =	vst v63  }
0x6f: {  	_ = 	snop  }
0x70: {  	[tilespmem:s24], [sflag:$0x1] =	stream.indirect_vreg.gather [hbm4b:s8+s3], $0x80, v5, vm0, $0xb8;
	[tilespmem:$0x10300] =	vst v63  }
0x71: {  	_ =	swait.ge [sflag:s4], $0x8000  }
0x72: {  	[sflag:s4] =	ssyncset.done $0x0  }
0x73: {  	s0 =	rddreg [dreg:$0x7];
	[sflag:s4] =	ssyncadd.s32 $0xFFFF8000  }
0x74: {  	[hbm4b:s0+s3] =	stream.linear.scatter [tilespmem:s5], [sflag:$0x3], $0x8000, $0x38;
	[tilespmem:$0x10300] =	vst v63  }
0x75: {  	v5 =	vld [tilespmem:$0x220];
	_ =	sdelay $0x4  }
0x76: {  	v6 =	vshll.u32 v5, $0x3  }
0x77: {  	v5 =	vand.u32 $0x7, v5;
	v6 =	vand.u32 $0xFFFFFFC0, v6  }
0x78: {  	v5 =	vor.u32 v5, v6  }
0x79: {  	v6 =	vperm.xlane v5, v2;
	_ =	sdelay $0x1  }
0x7a: {  	v6 =	vadd.s32 v3, v6;
	_ =	sdelay $0x3  }
0x7b: {  	s1 =	simm.s32 $0x8300  }
0x7c: {  	[tilespmem:s1], [sflag:$0x2] =	stream.indirect_vreg.gather [hbm4b:s2+s3], $0x80, v6, vm0, $0xb8;
	[tilespmem:$0x10300] =	vst v63  }
0x7d: {  	v5 =	vperm.xlane v5, v4  }
0x7e: {  	[tilespmem:s25], [sflag:$0x2] =	stream.indirect_vreg.gather [hbm4b:s6+s3], $0x80, v6, vm0, $0xb8;
	[tilespmem:$0x10300] =	vst v63  }
0x7f: {  	v5 =	vadd.s32 v3, v5  }
0x80: {  	[tilespmem:s26], [sflag:$0x2] =	stream.indirect_vreg.gather [hbm4b:s7+s3], $0x80, v6, vm0, $0xb8;
	[tilespmem:$0x10300] =	vst v63  }
0x81: {  	s0 =	simm.s32 $0x9B00  }
0x82: {  	[tilespmem:s0], [sflag:$0x2] =	stream.indirect_vreg.gather [hbm4b:s8+s3], $0x80, v6, vm0, $0xb8;
	[tilespmem:$0x10300] =	vst v63  }
0x83: {  	_ = 	snop  }
0x84: {  	[tilespmem:s18], [sflag:$0x2] =	stream.indirect_vreg.gather [hbm4b:s2+s3], $0x80, v5, vm0, $0xb8;
	[tilespmem:$0x10300] =	vst v63  }
0x85: {  	s0 =	simm.s32 $0xAB00  }
0x86: {  	[tilespmem:s0], [sflag:$0x2] =	stream.indirect_vreg.gather [hbm4b:s6+s3], $0x80, v5, vm0, $0xb8;
	[tilespmem:$0x10300] =	vst v63  }
0x87: {  	s0 =	simm.s32 $0xB300  }
0x88: {  	[tilespmem:s0], [sflag:$0x2] =	stream.indirect_vreg.gather [hbm4b:s7+s3], $0x80, v5, vm0, $0xb8;
	[tilespmem:$0x10300] =	vst v63  }
0x89: {  	s0 =	simm.s32 $0xBB00  }
0x8a: {  	[tilespmem:s0], [sflag:$0x2] =	stream.indirect_vreg.gather [hbm4b:s8+s3], $0x80, v5, vm0, $0xb8;
	[tilespmem:$0x10300] =	vst v63  }
0x8b: {  	v5 =	vld [tilespmem:$0x230];
	_ =	sdelay $0x4  }
0x8c: {  	v6 =	vshll.u32 v5, $0x3  }
0x8d: {  	v5 =	vand.u32 $0x7, v5;
	v6 =	vand.u32 $0xFFFFFFC0, v6  }
0x8e: {  	v5 =	vor.u32 v5, v6  }
0x8f: {  	v6 =	vperm.xlane v5, v2;
	_ =	sdelay $0x1  }
0x90: {  	v6 =	vadd.s32 v3, v6;
	_ =	sdelay $0x3  }
0x91: {  	s0 =	simm.s32 $0xC300  }
0x92: {  	[tilespmem:s0], [sflag:$0x2] =	stream.indirect_vreg.gather [hbm4b:s2+s3], $0x80, v6, vm0, $0xb8;
	[tilespmem:$0x10300] =	vst v63  }
0x93: {  	v5 =	vperm.xlane v5, v4;
	s0 =	simm.s32 $0xCB00  }
0x94: {  	[tilespmem:s0], [sflag:$0x2] =	stream.indirect_vreg.gather [hbm4b:s6+s3], $0x80, v6, vm0, $0xb8;
	[tilespmem:$0x10300] =	vst v63  }
0x95: {  	v5 =	vadd.s32 v3, v5;
	s0 =	simm.s32 $0xD300  }
0x96: {  	[tilespmem:s0], [sflag:$0x2] =	stream.indirect_vreg.gather [hbm4b:s7+s3], $0x80, v6, vm0, $0xb8;
	[tilespmem:$0x10300] =	vst v63  }
0x97: {  	s0 =	simm.s32 $0xDB00  }
0x98: {  	[tilespmem:s0], [sflag:$0x2] =	stream.indirect_vreg.gather [hbm4b:s8+s3], $0x80, v6, vm0, $0xb8;
	[tilespmem:$0x10300] =	vst v63  }
0x99: {  	s0 =	simm.s32 $0xE300  }
0x9a: {  	[tilespmem:s0], [sflag:$0x2] =	stream.indirect_vreg.gather [hbm4b:s2+s3], $0x80, v5, vm0, $0xb8;
	[tilespmem:$0x10300] =	vst v63  }
0x9b: {  	s0 =	simm.s32 $0xEB00  }
0x9c: {  	[tilespmem:s0], [sflag:$0x2] =	stream.indirect_vreg.gather [hbm4b:s6+s3], $0x80, v5, vm0, $0xb8;
	[tilespmem:$0x10300] =	vst v63  }
0x9d: {  	s0 =	simm.s32 $0xF300  }
0x9e: {  	[tilespmem:s0], [sflag:$0x2] =	stream.indirect_vreg.gather [hbm4b:s7+s3], $0x80, v5, vm0, $0xb8;
	[tilespmem:$0x10300] =	vst v63  }
0x9f: {  	s0 =	simm.s32 $0xFB00  }
0xa0: {  	[tilespmem:s0], [sflag:$0x2] =	stream.indirect_vreg.gather [hbm4b:s8+s3], $0x80, v5, vm0, $0xb8;
	[tilespmem:$0x10300] =	vst v63  }
0xa1: {  	_ =	swait.ge [sflag:s28], $0x8000  }
0xa2: {  	[sflag:s28] =	ssyncset.done $0x0  }
0xa3: {  	s0 =	rddreg [dreg:$0x8];
	[sflag:s28] =	ssyncadd.s32 $0xFFFF8000  }
0xa4: {  	[hbm4b:s0+s3] =	stream.linear.scatter [tilespmem:s1], [sflag:$0x4], $0x8000, $0x38;
	[tilespmem:$0x10300] =	vst v63  }
0xa5: {  	_ =	swait.ge [sflag:s29], $0x8000  }
0xa6: {  	[sflag:s29] =	ssyncset.done $0x0  }
0xa7: {  	[sflag:s29] =	ssyncadd.s32 $0xFFFF8000  }
0xa8: {  	v5 =	vld [tilespmem:$0x240];
	_ =	sdelay $0x4  }
0xa9: {  	v6 =	vshll.u32 v5, $0x3  }
0xaa: {  	v5 =	vand.u32 $0x7, v5;
	v6 =	vand.u32 $0xFFFFFFC0, v6  }
0xab: {  	v5 =	vor.u32 v5, v6  }
0xac: {  	v6 =	vperm.xlane v5, v2;
	_ =	sdelay $0x1  }
0xad: {  	v6 =	vadd.s32 v3, v6;
	_ =	sdelay $0x4  }
0xae: {  	[tilespmem:s5], [sflag:$0x1] =	stream.indirect_vreg.gather [hbm4b:s2+s3], $0x80, v6, vm0, $0xb8;
	[tilespmem:$0x10300] =	vst v63  }
0xaf: {  	v5 =	vperm.xlane v5, v4  }
0xb0: {  	[tilespmem:s16], [sflag:$0x1] =	stream.indirect_vreg.gather [hbm4b:s6+s3], $0x80, v6, vm0, $0xb8;
	[tilespmem:$0x10300] =	vst v63  }
0xb1: {  	v5 =	vadd.s32 v3, v5  }
0xb2: {  	[tilespmem:s17], [sflag:$0x1] =	stream.indirect_vreg.gather [hbm4b:s7+s3], $0x80, v6, vm0, $0xb8;
	[tilespmem:$0x10300] =	vst v63  }
0xb3: {  	_ = 	snop  }
0xb4: {  	[tilespmem:s10], [sflag:$0x1] =	stream.indirect_vreg.gather [hbm4b:s8+s3], $0x80, v6, vm0, $0xb8;
	[tilespmem:$0x10300] =	vst v63  }
0xb5: {  	_ = 	snop  }
0xb6: {  	[tilespmem:s11], [sflag:$0x1] =	stream.indirect_vreg.gather [hbm4b:s2+s3], $0x80, v5, vm0, $0xb8;
	[tilespmem:$0x10300] =	vst v63  }
0xb7: {  	_ = 	snop  }
0xb8: {  	[tilespmem:s12], [sflag:$0x1] =	stream.indirect_vreg.gather [hbm4b:s6+s3], $0x80, v5, vm0, $0xb8;
	[tilespmem:$0x10300] =	vst v63  }
0xb9: {  	_ = 	snop  }
0xba: {  	[tilespmem:s13], [sflag:$0x1] =	stream.indirect_vreg.gather [hbm4b:s7+s3], $0x80, v5, vm0, $0xb8;
	[tilespmem:$0x10300] =	vst v63  }
0xbb: {  	_ = 	snop  }
0xbc: {  	[tilespmem:s14], [sflag:$0x1] =	stream.indirect_vreg.gather [hbm4b:s8+s3], $0x80, v5, vm0, $0xb8;
	[tilespmem:$0x10300] =	vst v63  }
0xbd: {  	v5 =	vld [tilespmem:$0x250];
	_ =	sdelay $0x4  }
0xbe: {  	v6 =	vshll.u32 v5, $0x3  }
0xbf: {  	v5 =	vand.u32 $0x7, v5;
	v6 =	vand.u32 $0xFFFFFFC0, v6  }
0xc0: {  	v5 =	vor.u32 v5, v6  }
0xc1: {  	v6 =	vperm.xlane v5, v2;
	_ =	sdelay $0x1  }
0xc2: {  	v6 =	vadd.s32 v3, v6;
	_ =	sdelay $0x4  }
0xc3: {  	[tilespmem:s15], [sflag:$0x1] =	stream.indirect_vreg.gather [hbm4b:s2+s3], $0x80, v6, vm0, $0xb8;
	[tilespmem:$0x10300] =	vst v63  }
0xc4: {  	v5 =	vperm.xlane v5, v4  }
0xc5: {  	[tilespmem:s9], [sflag:$0x1] =	stream.indirect_vreg.gather [hbm4b:s6+s3], $0x80, v6, vm0, $0xb8;
	[tilespmem:$0x10300] =	vst v63  }
0xc6: {  	v5 =	vadd.s32 v3, v5  }
0xc7: {  	[tilespmem:s19], [sflag:$0x1] =	stream.indirect_vreg.gather [hbm4b:s7+s3], $0x80, v6, vm0, $0xb8;
	[tilespmem:$0x10300] =	vst v63  }
0xc8: {  	_ = 	snop  }
0xc9: {  	[tilespmem:s20], [sflag:$0x1] =	stream.indirect_vreg.gather [hbm4b:s8+s3], $0x80, v6, vm0, $0xb8;
	[tilespmem:$0x10300] =	vst v63  }
0xca: {  	_ = 	snop  }
0xcb: {  	[tilespmem:s21], [sflag:$0x1] =	stream.indirect_vreg.gather [hbm4b:s2+s3], $0x80, v5, vm0, $0xb8;
	[tilespmem:$0x10300] =	vst v63  }
0xcc: {  	_ = 	snop  }
0xcd: {  	[tilespmem:s22], [sflag:$0x1] =	stream.indirect_vreg.gather [hbm4b:s6+s3], $0x80, v5, vm0, $0xb8;
	[tilespmem:$0x10300] =	vst v63  }
0xce: {  	_ = 	snop  }
0xcf: {  	[tilespmem:s23], [sflag:$0x1] =	stream.indirect_vreg.gather [hbm4b:s7+s3], $0x80, v5, vm0, $0xb8;
	[tilespmem:$0x10300] =	vst v63  }
0xd0: {  	_ = 	snop  }
0xd1: {  	[tilespmem:s24], [sflag:$0x1] =	stream.indirect_vreg.gather [hbm4b:s8+s3], $0x80, v5, vm0, $0xb8;
	[tilespmem:$0x10300] =	vst v63  }
0xd2: {  	_ =	swait.ge [sflag:s4], $0x8000  }
0xd3: {  	[sflag:s4] =	ssyncset.done $0x0  }
0xd4: {  	s0 =	rddreg [dreg:$0x9];
	[sflag:s4] =	ssyncadd.s32 $0xFFFF8000  }
0xd5: {  	[hbm4b:s0+s3] =	stream.linear.scatter [tilespmem:s5], [sflag:$0x3], $0x8000, $0x38;
	[tilespmem:$0x10300] =	vst v63  }
0xd6: {  	_ =	swait.ge [sflag:s30], $0x8000  }
0xd7: {  	[sflag:s30] =	ssyncset.done $0x0  }
0xd8: {  	[sflag:s30] =	ssyncadd.s32 $0xFFFF8000  }
0xd9: {  	v5 =	vld [tilespmem:$0x260];
	_ =	sdelay $0x4  }
0xda: {  	v6 =	vshll.u32 v5, $0x3  }
0xdb: {  	v5 =	vand.u32 $0x7, v5;
	v6 =	vand.u32 $0xFFFFFFC0, v6  }
0xdc: {  	v5 =	vor.u32 v5, v6  }
0xdd: {  	v6 =	vperm.xlane v5, v2;
	_ =	sdelay $0x1  }
0xde: {  	v6 =	vadd.s32 v3, v6;
	_ =	sdelay $0x4  }
0xdf: {  	[tilespmem:s1], [sflag:$0x2] =	stream.indirect_vreg.gather [hbm4b:s2+s3], $0x80, v6, vm0, $0xb8;
	[tilespmem:$0x10300] =	vst v63  }
0xe0: {  	v5 =	vperm.xlane v5, v4  }
0xe1: {  	[tilespmem:s25], [sflag:$0x2] =	stream.indirect_vreg.gather [hbm4b:s6+s3], $0x80, v6, vm0, $0xb8;
	[tilespmem:$0x10300] =	vst v63  }
0xe2: {  	v5 =	vadd.s32 v3, v5  }
0xe3: {  	[tilespmem:s26], [sflag:$0x2] =	stream.indirect_vreg.gather [hbm4b:s7+s3], $0x80, v6, vm0, $0xb8;
	[tilespmem:$0x10300] =	vst v63  }
0xe4: {  	s0 =	simm.s32 $0x9B00  }
0xe5: {  	[tilespmem:s0], [sflag:$0x2] =	stream.indirect_vreg.gather [hbm4b:s8+s3], $0x80, v6, vm0, $0xb8;
	[tilespmem:$0x10300] =	vst v63  }
0xe6: {  	_ = 	snop  }
0xe7: {  	[tilespmem:s18], [sflag:$0x2] =	stream.indirect_vreg.gather [hbm4b:s2+s3], $0x80, v5, vm0, $0xb8;
	[tilespmem:$0x10300] =	vst v63  }
0xe8: {  	s0 =	simm.s32 $0xAB00  }
0xe9: {  	[tilespmem:s0], [sflag:$0x2] =	stream.indirect_vreg.gather [hbm4b:s6+s3], $0x80, v5, vm0, $0xb8;
	[tilespmem:$0x10300] =	vst v63  }
0xea: {  	s0 =	simm.s32 $0xB300  }
0xeb: {  	[tilespmem:s0], [sflag:$0x2] =	stream.indirect_vreg.gather [hbm4b:s7+s3], $0x80, v5, vm0, $0xb8;
	[tilespmem:$0x10300] =	vst v63  }
0xec: {  	s0 =	simm.s32 $0xBB00  }
0xed: {  	[tilespmem:s0], [sflag:$0x2] =	stream.indirect_vreg.gather [hbm4b:s8+s3], $0x80, v5, vm0, $0xb8;
	[tilespmem:$0x10300] =	vst v63  }
0xee: {  	v5 =	vld [tilespmem:$0x270];
	_ =	sdelay $0x4  }
0xef: {  	v6 =	vshll.u32 v5, $0x3  }
0xf0: {  	v5 =	vand.u32 $0x7, v5;
	v6 =	vand.u32 $0xFFFFFFC0, v6  }
0xf1: {  	v5 =	vor.u32 v5, v6  }
0xf2: {  	v6 =	vperm.xlane v5, v2;
	_ =	sdelay $0x1  }
0xf3: {  	v6 =	vadd.s32 v3, v6;
	_ =	sdelay $0x3  }
0xf4: {  	s0 =	simm.s32 $0xC300  }
0xf5: {  	[tilespmem:s0], [sflag:$0x2] =	stream.indirect_vreg.gather [hbm4b:s2+s3], $0x80, v6, vm0, $0xb8;
	[tilespmem:$0x10300] =	vst v63  }
0xf6: {  	v5 =	vperm.xlane v5, v4;
	s0 =	simm.s32 $0xCB00  }
0xf7: {  	[tilespmem:s0], [sflag:$0x2] =	stream.indirect_vreg.gather [hbm4b:s6+s3], $0x80, v6, vm0, $0xb8;
	[tilespmem:$0x10300] =	vst v63  }
0xf8: {  	v5 =	vadd.s32 v3, v5;
	s0 =	simm.s32 $0xD300  }
0xf9: {  	[tilespmem:s0], [sflag:$0x2] =	stream.indirect_vreg.gather [hbm4b:s7+s3], $0x80, v6, vm0, $0xb8;
	[tilespmem:$0x10300] =	vst v63  }
0xfa: {  	s0 =	simm.s32 $0xDB00  }
0xfb: {  	[tilespmem:s0], [sflag:$0x2] =	stream.indirect_vreg.gather [hbm4b:s8+s3], $0x80, v6, vm0, $0xb8;
	[tilespmem:$0x10300] =	vst v63  }
0xfc: {  	s0 =	simm.s32 $0xE300  }
0xfd: {  	[tilespmem:s0], [sflag:$0x2] =	stream.indirect_vreg.gather [hbm4b:s2+s3], $0x80, v5, vm0, $0xb8;
	[tilespmem:$0x10300] =	vst v63  }
0xfe: {  	s0 =	simm.s32 $0xEB00  }
0xff: {  	[tilespmem:s0], [sflag:$0x2] =	stream.indirect_vreg.gather [hbm4b:s6+s3], $0x80, v5, vm0, $0xb8;
	[tilespmem:$0x10300] =	vst v63  }
0x100: {  	s0 =	simm.s32 $0xF300  }
0x101: {  	[tilespmem:s0], [sflag:$0x2] =	stream.indirect_vreg.gather [hbm4b:s7+s3], $0x80, v5, vm0, $0xb8;
	[tilespmem:$0x10300] =	vst v63  }
0x102: {  	s0 =	simm.s32 $0xFB00  }
0x103: {  	[tilespmem:s0], [sflag:$0x2] =	stream.indirect_vreg.gather [hbm4b:s8+s3], $0x80, v5, vm0, $0xb8;
	[tilespmem:$0x10300] =	vst v63  }
0x104: {  	_ =	swait.ge [sflag:s28], $0x8000  }
0x105: {  	[sflag:s28] =	ssyncset.done $0x0  }
0x106: {  	s0 =	rddreg [dreg:$0xa];
	[sflag:s28] =	ssyncadd.s32 $0xFFFF8000  }
0x107: {  	[hbm4b:s0+s3] =	stream.linear.scatter [tilespmem:s1], [sflag:$0x4], $0x8000, $0x38;
	[tilespmem:$0x10300] =	vst v63  }
0x108: {  	_ =	swait.ge [sflag:s29], $0x8000  }
0x109: {  	[sflag:s29] =	ssyncset.done $0x0  }
0x10a: {  	[sflag:s29] =	ssyncadd.s32 $0xFFFF8000  }
0x10b: {  	v5 =	vld [tilespmem:$0x280];
	_ =	sdelay $0x4  }
0x10c: {  	v6 =	vshll.u32 v5, $0x3  }
0x10d: {  	v5 =	vand.u32 $0x7, v5;
	v6 =	vand.u32 $0xFFFFFFC0, v6  }
0x10e: {  	v5 =	vor.u32 v5, v6  }
0x10f: {  	v6 =	vperm.xlane v5, v2;
	_ =	sdelay $0x1  }
0x110: {  	v6 =	vadd.s32 v3, v6;
	_ =	sdelay $0x4  }
0x111: {  	[tilespmem:s5], [sflag:$0x1] =	stream.indirect_vreg.gather [hbm4b:s2+s3], $0x80, v6, vm0, $0xb8;
	[tilespmem:$0x10300] =	vst v63  }
0x112: {  	v5 =	vperm.xlane v5, v4  }
0x113: {  	[tilespmem:s16], [sflag:$0x1] =	stream.indirect_vreg.gather [hbm4b:s6+s3], $0x80, v6, vm0, $0xb8;
	[tilespmem:$0x10300] =	vst v63  }
0x114: {  	v5 =	vadd.s32 v3, v5  }
0x115: {  	[tilespmem:s17], [sflag:$0x1] =	stream.indirect_vreg.gather [hbm4b:s7+s3], $0x80, v6, vm0, $0xb8;
	[tilespmem:$0x10300] =	vst v63  }
0x116: {  	_ = 	snop  }
0x117: {  	[tilespmem:s10], [sflag:$0x1] =	stream.indirect_vreg.gather [hbm4b:s8+s3], $0x80, v6, vm0, $0xb8;
	[tilespmem:$0x10300] =	vst v63  }
0x118: {  	_ = 	snop  }
0x119: {  	[tilespmem:s11], [sflag:$0x1] =	stream.indirect_vreg.gather [hbm4b:s2+s3], $0x80, v5, vm0, $0xb8;
	[tilespmem:$0x10300] =	vst v63  }
0x11a: {  	_ = 	snop  }
0x11b: {  	[tilespmem:s12], [sflag:$0x1] =	stream.indirect_vreg.gather [hbm4b:s6+s3], $0x80, v5, vm0, $0xb8;
	[tilespmem:$0x10300] =	vst v63  }
0x11c: {  	_ = 	snop  }
0x11d: {  	[tilespmem:s13], [sflag:$0x1] =	stream.indirect_vreg.gather [hbm4b:s7+s3], $0x80, v5, vm0, $0xb8;
	[tilespmem:$0x10300] =	vst v63  }
0x11e: {  	_ = 	snop  }
0x11f: {  	[tilespmem:s14], [sflag:$0x1] =	stream.indirect_vreg.gather [hbm4b:s8+s3], $0x80, v5, vm0, $0xb8;
	[tilespmem:$0x10300] =	vst v63  }
0x120: {  	v5 =	vld [tilespmem:$0x290];
	_ =	sdelay $0x4  }
0x121: {  	v6 =	vshll.u32 v5, $0x3  }
0x122: {  	v5 =	vand.u32 $0x7, v5;
	v6 =	vand.u32 $0xFFFFFFC0, v6  }
0x123: {  	v5 =	vor.u32 v5, v6  }
0x124: {  	v6 =	vperm.xlane v5, v2;
	_ =	sdelay $0x1  }
0x125: {  	v6 =	vadd.s32 v3, v6;
	_ =	sdelay $0x4  }
0x126: {  	[tilespmem:s15], [sflag:$0x1] =	stream.indirect_vreg.gather [hbm4b:s2+s3], $0x80, v6, vm0, $0xb8;
	[tilespmem:$0x10300] =	vst v63  }
0x127: {  	v5 =	vperm.xlane v5, v4  }
0x128: {  	[tilespmem:s9], [sflag:$0x1] =	stream.indirect_vreg.gather [hbm4b:s6+s3], $0x80, v6, vm0, $0xb8;
	[tilespmem:$0x10300] =	vst v63  }
0x129: {  	v5 =	vadd.s32 v3, v5  }
0x12a: {  	[tilespmem:s19], [sflag:$0x1] =	stream.indirect_vreg.gather [hbm4b:s7+s3], $0x80, v6, vm0, $0xb8;
	[tilespmem:$0x10300] =	vst v63  }
0x12b: {  	_ = 	snop  }
0x12c: {  	[tilespmem:s20], [sflag:$0x1] =	stream.indirect_vreg.gather [hbm4b:s8+s3], $0x80, v6, vm0, $0xb8;
	[tilespmem:$0x10300] =	vst v63  }
0x12d: {  	_ = 	snop  }
0x12e: {  	[tilespmem:s21], [sflag:$0x1] =	stream.indirect_vreg.gather [hbm4b:s2+s3], $0x80, v5, vm0, $0xb8;
	[tilespmem:$0x10300] =	vst v63  }
0x12f: {  	_ = 	snop  }
0x130: {  	[tilespmem:s22], [sflag:$0x1] =	stream.indirect_vreg.gather [hbm4b:s6+s3], $0x80, v5, vm0, $0xb8;
	[tilespmem:$0x10300] =	vst v63  }
0x131: {  	_ = 	snop  }
0x132: {  	[tilespmem:s23], [sflag:$0x1] =	stream.indirect_vreg.gather [hbm4b:s7+s3], $0x80, v5, vm0, $0xb8;
	[tilespmem:$0x10300] =	vst v63  }
0x133: {  	_ = 	snop  }
0x134: {  	[tilespmem:s24], [sflag:$0x1] =	stream.indirect_vreg.gather [hbm4b:s8+s3], $0x80, v5, vm0, $0xb8;
	[tilespmem:$0x10300] =	vst v63  }
0x135: {  	_ =	swait.ge [sflag:s4], $0x8000  }
0x136: {  	[sflag:s4] =	ssyncset.done $0x0  }
0x137: {  	s9 =	rddreg [dreg:$0xb];
	[sflag:s4] =	ssyncadd.s32 $0xFFFF8000  }
0x138: {  	[hbm4b:s9+s3] =	stream.linear.scatter [tilespmem:s5], [sflag:$0x3], $0x8000, $0x38;
	[tilespmem:$0x10300] =	vst v63  }
0x139: {  	_ =	swait.ge [sflag:s30], $0x8000  }
0x13a: {  	[sflag:s30] =	ssyncset.done $0x0  }
0x13b: {  	[sflag:s30] =	ssyncadd.s32 $0xFFFF8000  }
0x13c: {  	v5 =	vld [tilespmem:$0x2A0];
	_ =	sdelay $0x4  }
0x13d: {  	v6 =	vshll.u32 v5, $0x3  }
0x13e: {  	v5 =	vand.u32 $0x7, v5;
	v6 =	vand.u32 $0xFFFFFFC0, v6  }
0x13f: {  	v5 =	vor.u32 v5, v6  }
0x140: {  	v6 =	vperm.xlane v5, v2;
	_ =	sdelay $0x1  }
0x141: {  	v6 =	vadd.s32 v3, v6;
	_ =	sdelay $0x4  }
0x142: {  	[tilespmem:s1], [sflag:$0x2] =	stream.indirect_vreg.gather [hbm4b:s2+s3], $0x80, v6, vm0, $0xb8;
	[tilespmem:$0x10300] =	vst v63  }
0x143: {  	v5 =	vperm.xlane v5, v4  }
0x144: {  	[tilespmem:s25], [sflag:$0x2] =	stream.indirect_vreg.gather [hbm4b:s6+s3], $0x80, v6, vm0, $0xb8;
	[tilespmem:$0x10300] =	vst v63  }
0x145: {  	v5 =	vadd.s32 v3, v5  }
0x146: {  	[tilespmem:s26], [sflag:$0x2] =	stream.indirect_vreg.gather [hbm4b:s7+s3], $0x80, v6, vm0, $0xb8;
	[tilespmem:$0x10300] =	vst v63  }
0x147: {  	s9 =	simm.s32 $0x9B00  }
0x148: {  	[tilespmem:s9], [sflag:$0x2] =	stream.indirect_vreg.gather [hbm4b:s8+s3], $0x80, v6, vm0, $0xb8;
	[tilespmem:$0x10300] =	vst v63  }
0x149: {  	_ = 	snop  }
0x14a: {  	[tilespmem:s18], [sflag:$0x2] =	stream.indirect_vreg.gather [hbm4b:s2+s3], $0x80, v5, vm0, $0xb8;
	[tilespmem:$0x10300] =	vst v63  }
0x14b: {  	s9 =	simm.s32 $0xAB00  }
0x14c: {  	[tilespmem:s9], [sflag:$0x2] =	stream.indirect_vreg.gather [hbm4b:s6+s3], $0x80, v5, vm0, $0xb8;
	[tilespmem:$0x10300] =	vst v63  }
0x14d: {  	s9 =	simm.s32 $0xB300  }
0x14e: {  	[tilespmem:s9], [sflag:$0x2] =	stream.indirect_vreg.gather [hbm4b:s7+s3], $0x80, v5, vm0, $0xb8;
	[tilespmem:$0x10300] =	vst v63  }
0x14f: {  	s9 =	simm.s32 $0xBB00  }
0x150: {  	[tilespmem:s9], [sflag:$0x2] =	stream.indirect_vreg.gather [hbm4b:s8+s3], $0x80, v5, vm0, $0xb8;
	[tilespmem:$0x10300] =	vst v63  }
0x151: {  	v5 =	vld [tilespmem:$0x2B0];
	_ =	sdelay $0x4  }
0x152: {  	v6 =	vshll.u32 v5, $0x3  }
0x153: {  	v5 =	vand.u32 $0x7, v5;
	v6 =	vand.u32 $0xFFFFFFC0, v6  }
0x154: {  	v5 =	vor.u32 v5, v6  }
0x155: {  	v6 =	vperm.xlane v5, v2;
	_ =	sdelay $0x1  }
0x156: {  	v6 =	vadd.s32 v3, v6;
	_ =	sdelay $0x3  }
0x157: {  	s9 =	simm.s32 $0xC300  }
0x158: {  	[tilespmem:s9], [sflag:$0x2] =	stream.indirect_vreg.gather [hbm4b:s2+s3], $0x80, v6, vm0, $0xb8;
	[tilespmem:$0x10300] =	vst v63  }
0x159: {  	v5 =	vperm.xlane v5, v4;
	s9 =	simm.s32 $0xCB00  }
0x15a: {  	[tilespmem:s9], [sflag:$0x2] =	stream.indirect_vreg.gather [hbm4b:s6+s3], $0x80, v6, vm0, $0xb8;
	[tilespmem:$0x10300] =	vst v63  }
0x15b: {  	v5 =	vadd.s32 v3, v5;
	s9 =	simm.s32 $0xD300  }
0x15c: {  	[tilespmem:s9], [sflag:$0x2] =	stream.indirect_vreg.gather [hbm4b:s7+s3], $0x80, v6, vm0, $0xb8;
	[tilespmem:$0x10300] =	vst v63  }
0x15d: {  	s9 =	simm.s32 $0xDB00  }
0x15e: {  	[tilespmem:s9], [sflag:$0x2] =	stream.indirect_vreg.gather [hbm4b:s8+s3], $0x80, v6, vm0, $0xb8;
	[tilespmem:$0x10300] =	vst v63  }
0x15f: {  	s9 =	simm.s32 $0xE300  }
0x160: {  	[tilespmem:s9], [sflag:$0x2] =	stream.indirect_vreg.gather [hbm4b:s2+s3], $0x80, v5, vm0, $0xb8;
	[tilespmem:$0x10300] =	vst v63  }
0x161: {  	s9 =	simm.s32 $0xEB00  }
0x162: {  	[tilespmem:s9], [sflag:$0x2] =	stream.indirect_vreg.gather [hbm4b:s6+s3], $0x80, v5, vm0, $0xb8;
	[tilespmem:$0x10300] =	vst v63  }
0x163: {  	s9 =	simm.s32 $0xF300  }
0x164: {  	[tilespmem:s9], [sflag:$0x2] =	stream.indirect_vreg.gather [hbm4b:s7+s3], $0x80, v5, vm0, $0xb8;
	[tilespmem:$0x10300] =	vst v63  }
0x165: {  	s9 =	simm.s32 $0xFB00  }
0x166: {  	[tilespmem:s9], [sflag:$0x2] =	stream.indirect_vreg.gather [hbm4b:s8+s3], $0x80, v5, vm0, $0xb8;
	[tilespmem:$0x10300] =	vst v63  }
0x167: {  	_ =	swait.ge [sflag:s28], $0x8000  }
0x168: {  	[sflag:s28] =	ssyncset.done $0x0  }
0x169: {  	s9 =	rddreg [dreg:$0xc];
	[sflag:s28] =	ssyncadd.s32 $0xFFFF8000  }
0x16a: {  	[hbm4b:s9+s3] =	stream.linear.scatter [tilespmem:s1], [sflag:$0x4], $0x8000, $0x38;
	[tilespmem:$0x10300] =	vst v63  }
0x16b: {  	_ =	swait.ge [sflag:s29], $0x8000  }
0x16c: {  	[sflag:s29] =	ssyncset.done $0x0  }
0x16d: {  	[sflag:s29] =	ssyncadd.s32 $0xFFFF8000  }
0x16e: {  	_ =	swait.ge [sflag:s30], $0x8000  }
0x16f: {  	s31 =	sadd.s32 $0x1, s31;
	s9 =	rddreg [dreg:$0xd]  }
0x170: {  	p0 =	sne.s32 s31, s9  }
.Ltmp1:
0x171: {  	_ = 	snop;
	(pc) =	sbr.rel @p0 .LBB2_1-.Ltmp1, $3  }
0x172: {  	_ =	sdelay $0x1  }
0x173: {  	[sflag:s30] =	ssyncset.done $0x0  }
0x174: {  	[sflag:s30] =	ssyncadd.s32 $0xFFFF8000  }
0x175: {  	_ =	sfence.sel $0x180000  }
0x176: {  	[bflag:$0x0] =	sbarrier.arrive $0xFFFF  }
0x177: {  	_ =	strace $0x90000047  }
0x178: {  	s0 =	stileid.u32;
	[bflag:$0x2] =	sbarrier.arrive $0xFFFF  }
0x179: {  	p0 =	sne.s32 s0, $0x0;
	s0 =	rddreg [dreg:$0x4]  }
0x17a: {  	s0 =	sadd.s32 @!p0 $0x100000, s0  }
0x17b: {  	[sflag:s0] =	ssyncadd.tile.s32 @!p0 $0x1;
	_ =	shalt  }
.Lfunc_end2:
_tile_overlayer_lowered:
.L_overlay_start_2:
0x17c: {  	(tag) =	ssettag $0x2  }
0x17d: {  	s0 =	rddreg [dreg:$0x0];
	s2 =	stileid.u32  }
0x17e: {  	s1 =	rddreg [dreg:$0x1];
	p0 =	sne.s32 s2, $0x0  }
0x17f: {  	s3 =	rddreg [dreg:$0x2];
	[bflag:$0x3] =	sbarrier.arrive $0xFFFF;
	s2 =	simm.s32 @!p0 $0x1C05  }
0x180: {  	[timem:s3], [sflag:s2] =	dma.local @!p0 [hbm:s0], s1  }
0x181: {  	s0 =	simm.s32 @!p0 $0x5  }
0x182: {  	_ =	swait.ge @!p0 [sflag:s0], s1  }
0x183: {  	s1 =	ssub.s32 @!p0 $0x0, s1;
	[sflag:s0] =	ssyncset.done @!p0 $0x0  }
0x184: {  	[sflag:s0] =	ssyncadd.s32 @!p0 s1  }
0x185: {  	[bflag:$0x3] =	sbarrier.arrive $0xFFFF  }
0x186: {  	_ =	shalt  }

</sc_bundles>
